<compile_context>
chip_gen: v7x
topology: tpu7x:2x2x1
jax: 0.10.2.dev20260603
libtpu: 0.0.44.dev20260713+nightly
codegen_flags: <defaults>
</compile_context>

<pallas_src>
import jax
import jax.numpy as jnp
import numpy as np
from jax import lax
from jax.experimental import pallas as pl
from jax.experimental.pallas import tpu as pltpu
from jax.experimental.pallas import tpu_sc as plsc

NUM_FIELDS_RAW = 39
FIELD_DIM = 2560
EMBED_DIM = 16
BATCH = 4096

F = 30
FPAD = 32
TOTAL = F * FIELD_DIM
ROWLEN = F * EMBED_DIM
NC, NS, L = 2, 16, 16
NW = NC * NS
BPW = BATCH // NW


def _field_offsets_i32():
    sel = np.full(NUM_FIELDS_RAW, FIELD_DIM, dtype=np.int64)
    sel = np.hstack((sel[:3], sel[4:8], sel[10:15], sel[17:19], sel[21:24], sel[26:]))
    return np.array((0, *np.cumsum(sel)[:-1]), dtype=np.int32)


def _select_cols(x):
    return jnp.concatenate(
        (x[:, :3], x[:, 4:8], x[:, 10:15], x[:, 17:19], x[:, 21:24], x[:, 26:]),
        axis=1)


def _ffm_kernel(big_hbm, w_hbm, xi_hbm, bias_hbm, out_hbm,
                xi_v, w_all_v, idx0, idx1, rows0, rows1,
                z_v, bias_v, sem0, sem1):
    idx_bufs = (idx0, idx1)
    rows_bufs = (rows0, rows1)
    sems = (sem0, sem1)
    wid = lax.axis_index("s") * NC + lax.axis_index("c")
    base = wid * BPW
    pltpu.sync_copy(xi_hbm.at[pl.ds(base, BPW)], xi_v)
    pltpu.sync_copy(bias_hbm, bias_v)
    pltpu.sync_copy(w_hbm, w_all_v)

    lanes = lax.iota(jnp.int32, L)
    pa = jnp.where(lanes < 2, lanes + 14, 0)
    pb = jnp.where(lanes < 2, 0, lanes - 2)

    def build_and_fire(s, idx_v, rows_v, sem):
        xa = xi_v[s, pl.ds(0, L)]
        xb = xi_v[s, pl.ds(L, L)]
        idx_v[pl.ds(0, L)] = xa
        tail = jnp.where(
            lanes < 2,
            jnp.take_along_axis(xa, pa, axis=0, mode="promise_in_bounds"),
            jnp.take_along_axis(xb, pb, axis=0, mode="promise_in_bounds"))
        idx_v[pl.ds(F - L, L)] = tail
        return pltpu.async_copy(big_hbm.at[idx_v], rows_v, sem)

    def compute(s, rows_v, zvec):
        xa = xi_v[s, pl.ds(0, L)]
        xb = xi_v[s, pl.ds(L, L)]
        ga = plsc.load_gather(w_all_v, [xa])
        gb = plsc.load_gather(w_all_v, [xb])
        accw = ga + jnp.where(lanes < F - L, gb, 0.0)

        def pair_i(i, accP):
            ai = i * EMBED_DIM

            def pj(j, a):
                return a + (rows_v[j, pl.ds(ai, L)]
                            * rows_v[i, pl.ds(j * EMBED_DIM, L)])

            return lax.fori_loop(0, F, pj, accP, unroll=6)

        accP = lax.fori_loop(0, F, pair_i, jnp.zeros((L,), jnp.float32))

        def diag_i(i, aD):
            d = rows_v[i, pl.ds(i * EMBED_DIM, L)]
            return aD + d * d

        accD = lax.fori_loop(0, F, diag_i, jnp.zeros((L,), jnp.float32),
                             unroll=6)

        acc = accw + 0.5 * (accP - accD)
        for sh in (1, 2, 4, 8):
            acc = acc + jnp.take_along_axis(
                acc, lanes ^ sh, axis=0, mode="promise_in_bounds")
        lane = s % L
        zvec = jnp.where(lanes == lane, acc, zvec)

        @pl.when(lane == L - 1)
        def _():
            z_v[pl.ds(pl.multiple_of((s // L) * L, L), L)] = zvec

        return zvec

    h_first = build_and_fire(0, idx0, rows0, sem0)

    def pair_body(g, zvec):
        s0 = g * 2
        build_and_fire(s0 + 1, idx1, rows1, sem1)
        pltpu.make_async_copy(big_hbm.at[idx0], rows0, sem0).wait()
        zvec = compute(s0, rows0, zvec)

        @pl.when(s0 + 2 < BPW)
        def _():
            build_and_fire(s0 + 2, idx0, rows0, sem0)

        pltpu.make_async_copy(big_hbm.at[idx1], rows1, sem1).wait()
        zvec = compute(s0 + 1, rows1, zvec)
        return zvec

    del h_first
    lax.fori_loop(0, BPW // 2, pair_body, jnp.zeros((L,), jnp.float32))

    for g in range(BPW // L):
        zz = z_v[pl.ds(g * L, L)]
        z_v[pl.ds(g * L, L)] = 1.0 / (1.0 + jnp.exp(-(zz + bias_v[...])))
    pltpu.sync_copy(z_v, out_hbm.at[pl.ds(base, BPW)])


@jax.jit
def _run(big, w1d, xi_pad, bias16):
    mesh = plsc.VectorSubcoreMesh(
        core_axis_name="c", subcore_axis_name="s", num_cores=NC, num_subcores=NS)
    return pl.kernel(
        _ffm_kernel,
        out_type=jax.ShapeDtypeStruct((BATCH,), jnp.float32),
        mesh=mesh,
        compiler_params=pltpu.CompilerParams(
            use_tc_tiling_on_sc=False, needs_layout_passes=False),
        scratch_types=[
            pltpu.VMEM((BPW, FPAD), jnp.int32),
            pltpu.VMEM((TOTAL,), jnp.float32),
            pltpu.VMEM((F,), jnp.int32),
            pltpu.VMEM((F,), jnp.int32),
            pltpu.VMEM((F, ROWLEN), jnp.float32),
            pltpu.VMEM((F, ROWLEN), jnp.float32),
            pltpu.VMEM((BPW,), jnp.float32),
            pltpu.VMEM((L,), jnp.float32),
            pltpu.SemaphoreType.DMA,
            pltpu.SemaphoreType.DMA,
        ],
    )(big, w1d, xi_pad, bias16)


def kernel(x, additional, W_lin, bias, ffm_tables):
    offsets = jnp.asarray(_field_offsets_i32())
    xi = _select_cols(x).astype(jnp.int32) + offsets[None, :]
    xi_pad = jnp.pad(xi, ((0, 0), (0, FPAD - F)))
    big = jnp.swapaxes(ffm_tables, 0, 1).reshape(TOTAL, ROWLEN)
    bias16 = jnp.broadcast_to(bias.astype(jnp.float32), (L,))
    return _run(big, W_lin.astype(jnp.float32).reshape(TOTAL), xi_pad, bias16)

# --- scband reference (transcript-rebuilt; emitter-appended) ---
"""Pipeline reference for scband-field-aware-factorization-machine-model-71863392797271 (READ-ONLY COPY).

The authoritative reference and input builder live on the scoring server;
editing this copy changes nothing except your own understanding.
"""

import jax, jax.numpy as jnp
import numpy as np

NUM_FIELDS_RAW = 39
FIELD_DIM = 2560
EMBED_DIM = 16
BATCH = 4096

def _selected_field_dims():
    fd = np.full(NUM_FIELDS_RAW, FIELD_DIM, dtype=np.int64)
    return np.hstack((fd[:3], fd[4:8], fd[10:15], fd[17:19], fd[21:24], fd[26:]))

def _select_cols(x):
    return jnp.concatenate((x[:, :3], x[:, 4:8], x[:, 10:15], x[:, 17:19], x[:, 21:24], x[:, 26:]), axis=1)

def setup_inputs(seed: int = 0):
    key = jax.random.key(seed)
    k1, k2, k3 = jax.random.split(key, 3)
    sel = _selected_field_dims()
    total = int(sel.sum())
    num_fields = int(len(sel))
    x = jax.random.randint(k1, (BATCH, NUM_FIELDS_RAW), 0, FIELD_DIM, dtype=jnp.int64)
    additional = jnp.zeros((1,), dtype=jnp.float32)
    W_lin = jax.random.normal(k2, (total, 1), dtype=jnp.float32) * 0.01
    bias = jnp.zeros((1,), dtype=jnp.float32)
    ffm_tables = jax.random.normal(k3, (num_fields, total, EMBED_DIM), dtype=jnp.float32) * 0.01
    return {"x": x, "additional": additional, "W_lin": W_lin, "bias": bias, "ffm_tables": ffm_tables}

def reference(x, additional, W_lin, bias, ffm_tables):
    sel = _selected_field_dims()
    num_fields = int(len(sel))
    offsets = jnp.asarray(np.array((0, *np.cumsum(sel)[:-1]), dtype=np.int64))
    xi = _select_cols(x) + offsets[None, :]  # [B, 30], values index into shared table of size sum(sel)
    # FeaturesLinear: sum of per-field linear weights + bias
    lin = jnp.sum(jnp.take(W_lin, xi, axis=0), axis=1) + bias  # [B, 1]
    # FieldAwareFactorizationMachine: one embedding table per field
    emb = jnp.take(ffm_tables, xi, axis=1)      # [F_table, B, F_field, D]
    A = jnp.transpose(emb, (1, 0, 2, 3))        # [B, table, field, D]; A[b, t, f] = xs[t][b, f]
    P = A * jnp.swapaxes(A, 1, 2)               # P[:, i, j] = xs[i][:, j] * xs[j][:, i]
    mask = jnp.triu(jnp.ones((num_fields, num_fields), dtype=bool), k=1)
    ffm_term = jnp.sum(jnp.where(mask[None, :, :, None], P, 0.0), axis=(1, 2, 3))[:, None]  # [B, 1]
    out = jax.nn.sigmoid(jnp.squeeze(lin + ffm_term, axis=1))  # [B]
    return out

if __name__ == "__main__":
    import jax
    _d = setup_inputs()
    print(jax.jit(kernel)(*tuple(_d.values())))

</pallas_src>

<mosaic_0001>
#map = affine_map<(d0, d1) -> (0, 0)>
#map1 = affine_map<(d0, d1) -> (0)>
module attributes {stable_mosaic.version = 14 : i64} {
  func.func @_ffm_kernel(%arg0: i32, %arg1: i32, %arg2: memref<76800x480xf32, #tpu.memory_space<hbm>>, %arg3: memref<76800xf32, #tpu.memory_space<hbm>>, %arg4: memref<4096x32xi32, #tpu.memory_space<hbm>>, %arg5: memref<16xf32, #tpu.memory_space<hbm>>, %arg6: memref<4096xf32, #tpu.memory_space<hbm>>, %arg7: memref<128x32xi32, #tpu.memory_space<vmem>>, %arg8: memref<76800xf32, #tpu.memory_space<vmem>>, %arg9: memref<30xi32, #tpu.memory_space<vmem>>, %arg10: memref<30xi32, #tpu.memory_space<vmem>>, %arg11: memref<30x480xf32, #tpu.memory_space<vmem>>, %arg12: memref<30x480xf32, #tpu.memory_space<vmem>>, %arg13: memref<128xf32, #tpu.memory_space<vmem>>, %arg14: memref<16xf32, #tpu.memory_space<vmem>>, %arg15: memref<!tpu.dma_semaphore, #tpu.memory_space<semaphore_mem>>, %arg16: memref<!tpu.dma_semaphore, #tpu.memory_space<semaphore_mem>>) attributes {dimension_semantics = [#tpu.dimension_semantics<core_parallel>, #tpu.dimension_semantics<subcore_parallel>], iteration_bounds = array<i64: 2, 16>, scalar_prefetch = 0 : i64, scratch_operands = 10 : i64, tpu.core_type = #tpu.core_type<sc_vector_subcore>, window_params = [{transform_indices = #map}, {transform_indices = #map1}, {transform_indices = #map}, {transform_indices = #map1}, {transform_indices = #map1}]} {
    %mul3A = arith.constant 2 : i32
    %mul3A_0 = arith.muli %arg1, %mul3A : i32
    %add3A = arith.addi %mul3A_0, %arg0 : i32
    %mul3A_1 = arith.constant 128 : i32
    %mul3A_2 = arith.muli %add3A, %mul3A_1 : i32
    "tpu.region"() ({
      %run_scoped3A = tpu.sem_alloc : memref<!tpu.dma_semaphore, #tpu.memory_space<semaphore_mem>>
      %dma_start3A_176 = arith.constant 0 : i32
      %dma_start3A_177 = tpu.memref_slice %arg4[%mul3A_2, %dma_start3A_176] : memref<4096x32xi32, #tpu.memory_space<hbm>> -> memref<128x32xi32, #tpu.memory_space<hbm>>
      %dma_start3A_178 = arith.constant 0 : i32
      %dma_start3A_179 = tpu.memref_slice %arg4[%mul3A_2, %dma_start3A_178] : memref<4096x32xi32, #tpu.memory_space<hbm>> -> memref<128x32xi32, #tpu.memory_space<hbm>>
      tpu.enqueue_dma source(%dma_start3A_179 : memref<128x32xi32, #tpu.memory_space<hbm>>) target(%arg7 : memref<128x32xi32, #tpu.memory_space<vmem>>) target_semaphore(%run_scoped3A : memref<!tpu.dma_semaphore, #tpu.memory_space<semaphore_mem>>)
      %dma_wait3A = arith.constant 0 : i32
      %dma_wait3A_180 = tpu.memref_slice %arg4[%mul3A_2, %dma_wait3A] : memref<4096x32xi32, #tpu.memory_space<hbm>> -> memref<128x32xi32, #tpu.memory_space<hbm>>
      %dma_wait3A_181 = arith.constant 0 : i32
      %dma_wait3A_182 = tpu.memref_slice %arg4[%mul3A_2, %dma_wait3A_181] : memref<4096x32xi32, #tpu.memory_space<hbm>> -> memref<128x32xi32, #tpu.memory_space<hbm>>
      tpu.wait_dma2 semaphore(%run_scoped3A : memref<!tpu.dma_semaphore, #tpu.memory_space<semaphore_mem>>) src(%dma_wait3A_182 : memref<128x32xi32, #tpu.memory_space<hbm>>) dst(%arg7 : memref<128x32xi32, #tpu.memory_space<vmem>>)
      tpu.yield
    }) : () -> ()
    "tpu.region"() ({
      %run_scoped3A = tpu.sem_alloc : memref<!tpu.dma_semaphore, #tpu.memory_space<semaphore_mem>>
      tpu.enqueue_dma source(%arg5 : memref<16xf32, #tpu.memory_space<hbm>>) target(%arg14 : memref<16xf32, #tpu.memory_space<vmem>>) target_semaphore(%run_scoped3A : memref<!tpu.dma_semaphore, #tpu.memory_space<semaphore_mem>>)
      tpu.wait_dma2 semaphore(%run_scoped3A : memref<!tpu.dma_semaphore, #tpu.memory_space<semaphore_mem>>) src(%arg5 : memref<16xf32, #tpu.memory_space<hbm>>) dst(%arg14 : memref<16xf32, #tpu.memory_space<vmem>>)
      tpu.yield
    }) : () -> ()
    "tpu.region"() ({
      %run_scoped3A = tpu.sem_alloc : memref<!tpu.dma_semaphore, #tpu.memory_space<semaphore_mem>>
      tpu.enqueue_dma source(%arg3 : memref<76800xf32, #tpu.memory_space<hbm>>) target(%arg8 : memref<76800xf32, #tpu.memory_space<vmem>>) target_semaphore(%run_scoped3A : memref<!tpu.dma_semaphore, #tpu.memory_space<semaphore_mem>>)
      tpu.wait_dma2 semaphore(%run_scoped3A : memref<!tpu.dma_semaphore, #tpu.memory_space<semaphore_mem>>) src(%arg3 : memref<76800xf32, #tpu.memory_space<hbm>>) dst(%arg8 : memref<76800xf32, #tpu.memory_space<vmem>>)
      tpu.yield
    }) : () -> ()
    %iota3A = tpu.iota {dimensions = array<i32: 0>} : vector<16xi32>
    %lt3A = arith.constant 2 : i32
    %lt3A_3 = vector.broadcast %lt3A : i32 to vector<16xi32>
    %lt3A_4 = arith.cmpi slt, %iota3A, %lt3A_3 : vector<16xi32>
    %add3A_5 = arith.constant 14 : i32
    %add3A_6 = vector.broadcast %add3A_5 : i32 to vector<16xi32>
    %add3A_7 = arith.addi %iota3A, %add3A_6 : vector<16xi32>
    %jit3A = arith.constant 0 : i32
    %broadcast_in_dim3A = vector.broadcast %jit3A : i32 to vector<16xi32>
    %select_n3A = arith.select %lt3A_4, %add3A_7, %broadcast_in_dim3A : vector<16xi1>, vector<16xi32>
    %lt3A_8 = arith.constant 2 : i32
    %lt3A_9 = vector.broadcast %lt3A_8 : i32 to vector<16xi32>
    %lt3A_10 = arith.cmpi slt, %iota3A, %lt3A_9 : vector<16xi32>
    %sub3A = arith.constant 2 : i32
    %sub3A_11 = vector.broadcast %sub3A : i32 to vector<16xi32>
    %sub3A_12 = arith.subi %iota3A, %sub3A_11 : vector<16xi32>
    %jit3A_13 = arith.constant 0 : i32
    %broadcast_in_dim3A_14 = vector.broadcast %jit3A_13 : i32 to vector<16xi32>
    %select_n3A_15 = arith.select %lt3A_10, %broadcast_in_dim3A_14, %sub3A_12 : vector<16xi1>, vector<16xi32>
    %get3A = arith.constant 0 : i32
    %get3A_16 = arith.index_cast %get3A : i32 to index
    %get3A_17 = arith.constant 0 : index
    %get3A_18 = tpu.vector_load %arg7[%get3A_16, %get3A_17] {strides = array<i32>} : memref<128x32xi32, #tpu.memory_space<vmem>>, vector<16xi32>,
    %get3A_19 = arith.constant 0 : i32
    %get3A_20 = arith.index_cast %get3A_19 : i32 to index
    %get3A_21 = arith.constant 16 : index
    %get3A_22 = tpu.vector_load %arg7[%get3A_20, %get3A_21] {strides = array<i32>} : memref<128x32xi32, #tpu.memory_space<vmem>>, vector<16xi32>,
    %swap3A = arith.constant 0 : index
    %swap3A_23 = tpu.vector_load %arg9[%swap3A] {strides = array<i32>} : memref<30xi32, #tpu.memory_space<vmem>>, vector<16xi32>,
    tpu.vector_store %arg9[%swap3A], %get3A_18 {strides = array<i32>} : memref<30xi32, #tpu.memory_space<vmem>>, vector<16xi32>,
    %lt3A_24 = arith.constant 2 : i32
    %lt3A_25 = vector.broadcast %lt3A_24 : i32 to vector<16xi32>
    %lt3A_26 = arith.cmpi slt, %iota3A, %lt3A_25 : vector<16xi32>
    %reshape3A = vector.shape_cast %select_n3A : vector<16xi32> to vector<16x1xi32>
    %gather3A = vector.shape_cast %reshape3A : vector<16x1xi32> to vector<16xi32>
    %gather3A_27 = tpu.dynamic_gather %get3A_18[%gather3A] in [0] : vector<16xi32>, vector<16xi32> -> vector<16xi32>
    %reshape3A_28 = vector.shape_cast %select_n3A_15 : vector<16xi32> to vector<16x1xi32>
    %gather3A_29 = vector.shape_cast %reshape3A_28 : vector<16x1xi32> to vector<16xi32>
    %gather3A_30 = tpu.dynamic_gather %get3A_22[%gather3A_29] in [0] : vector<16xi32>, vector<16xi32> -> vector<16xi32>
    %select_n3A_31 = arith.select %lt3A_26, %gather3A_27, %gather3A_30 : vector<16xi1>, vector<16xi32>
    %swap3A_32 = arith.constant 14 : index
    %swap3A_33 = tpu.vector_load %arg9[%swap3A_32] {strides = array<i32>} : memref<30xi32, #tpu.memory_space<vmem>>, vector<16xi32>,
    tpu.vector_store %arg9[%swap3A_32], %select_n3A_31 {strides = array<i32>} : memref<30xi32, #tpu.memory_space<vmem>>, vector<16xi32>,
    %dma_start3A = arith.constant 0 : i32
    %dma_start3A_34 = arith.constant 0 : i32
    %dma_start3A_35 = tpu.memref_slice %arg2[%dma_start3A, %dma_start3A_34] : memref<76800x480xf32, #tpu.memory_space<hbm>> -> memref<76800x480xf32, #tpu.memory_space<hbm>>
    tpu.enqueue_indirect_dma source(%dma_start3A_35 : memref<76800x480xf32, #tpu.memory_space<hbm>>) target(%arg11 : memref<30x480xf32, #tpu.memory_space<vmem>>) offsets(%arg9 : memref<30xi32, #tpu.memory_space<vmem>>) semaphore(%arg15 : memref<!tpu.dma_semaphore, #tpu.memory_space<semaphore_mem>>)
    %broadcast_in_dim3A_36 = arith.constant 0.000000e+00 : f32
    %broadcast_in_dim3A_37 = vector.broadcast %broadcast_in_dim3A_36 : f32 to vector<16xf32>
    %scan3A = arith.constant 0 : i32
    %scan3A_38 = arith.constant 64 : i32
    %scan3A_39 = arith.addi %scan3A, %scan3A_38 : i32
    %scan3A_40 = arith.constant 1 : i32
    %scan3A_41 = scf.for %scan3A_176 = %scan3A to %scan3A_39 step %scan3A_40 iter_args(%scan3A_177 = %broadcast_in_dim3A_37) -> (vector<16xf32>)  : i32 {
      %mul3A_178 = arith.constant 2 : i32
      %mul3A_179 = arith.muli %scan3A_176, %mul3A_178 : i32
      %add3A_180 = arith.constant 1 : i32
      %add3A_181 = arith.addi %mul3A_179, %add3A_180 : i32
      %get3A_182 = arith.index_cast %add3A_181 : i32 to index
      %get3A_183 = arith.constant 0 : index
      %get3A_184 = tpu.vector_load %arg7[%get3A_182, %get3A_183] {strides = array<i32>} : memref<128x32xi32, #tpu.memory_space<vmem>>, vector<16xi32>,
      %get3A_185 = arith.index_cast %add3A_181 : i32 to index
      %get3A_186 = arith.constant 16 : index
      %get3A_187 = tpu.vector_load %arg7[%get3A_185, %get3A_186] {strides = array<i32>} : memref<128x32xi32, #tpu.memory_space<vmem>>, vector<16xi32>,
      %swap3A_188 = arith.constant 0 : index
      %swap3A_189 = tpu.vector_load %arg10[%swap3A_188] {strides = array<i32>} : memref<30xi32, #tpu.memory_space<vmem>>, vector<16xi32>,
      tpu.vector_store %arg10[%swap3A_188], %get3A_184 {strides = array<i32>} : memref<30xi32, #tpu.memory_space<vmem>>, vector<16xi32>,
      %lt3A_190 = arith.constant 2 : i32
      %lt3A_191 = vector.broadcast %lt3A_190 : i32 to vector<16xi32>
      %lt3A_192 = arith.cmpi slt, %iota3A, %lt3A_191 : vector<16xi32>
      %reshape3A_193 = vector.shape_cast %select_n3A : vector<16xi32> to vector<16x1xi32>
      %gather3A_194 = vector.shape_cast %reshape3A_193 : vector<16x1xi32> to vector<16xi32>
      %gather3A_195 = tpu.dynamic_gather %get3A_184[%gather3A_194] in [0] : vector<16xi32>, vector<16xi32> -> vector<16xi32>
      %reshape3A_196 = vector.shape_cast %select_n3A_15 : vector<16xi32> to vector<16x1xi32>
      %gather3A_197 = vector.shape_cast %reshape3A_196 : vector<16x1xi32> to vector<16xi32>
      %gather3A_198 = tpu.dynamic_gather %get3A_187[%gather3A_197] in [0] : vector<16xi32>, vector<16xi32> -> vector<16xi32>
      %select_n3A_199 = arith.select %lt3A_192, %gather3A_195, %gather3A_198 : vector<16xi1>, vector<16xi32>
      %swap3A_200 = arith.constant 14 : index
      %swap3A_201 = tpu.vector_load %arg10[%swap3A_200] {strides = array<i32>} : memref<30xi32, #tpu.memory_space<vmem>>, vector<16xi32>,
      tpu.vector_store %arg10[%swap3A_200], %select_n3A_199 {strides = array<i32>} : memref<30xi32, #tpu.memory_space<vmem>>, vector<16xi32>,
      %dma_start3A_202 = arith.constant 0 : i32
      %dma_start3A_203 = arith.constant 0 : i32
      %dma_start3A_204 = tpu.memref_slice %arg2[%dma_start3A_202, %dma_start3A_203] : memref<76800x480xf32, #tpu.memory_space<hbm>> -> memref<76800x480xf32, #tpu.memory_space<hbm>>
      tpu.enqueue_indirect_dma source(%dma_start3A_204 : memref<76800x480xf32, #tpu.memory_space<hbm>>) target(%arg12 : memref<30x480xf32, #tpu.memory_space<vmem>>) offsets(%arg10 : memref<30xi32, #tpu.memory_space<vmem>>) semaphore(%arg16 : memref<!tpu.dma_semaphore, #tpu.memory_space<semaphore_mem>>)
      %dma_wait3A = arith.constant 0 : i32
      %dma_wait3A_205 = arith.constant 0 : i32
      %dma_wait3A_206 = tpu.memref_slice %arg2[%dma_wait3A, %dma_wait3A_205] : memref<76800x480xf32, #tpu.memory_space<hbm>> -> memref<76800x480xf32, #tpu.memory_space<hbm>>
      tpu.wait_indirect_dma semaphore(%arg15 : memref<!tpu.dma_semaphore, #tpu.memory_space<semaphore_mem>>) src(%dma_wait3A_206 : memref<76800x480xf32, #tpu.memory_space<hbm>>) dst(%arg11 : memref<30x480xf32, #tpu.memory_space<vmem>>)
      %get3A_207 = arith.index_cast %mul3A_179 : i32 to index
      %get3A_208 = arith.constant 0 : index
      %get3A_209 = tpu.vector_load %arg7[%get3A_207, %get3A_208] {strides = array<i32>} : memref<128x32xi32, #tpu.memory_space<vmem>>, vector<16xi32>,
      %get3A_210 = arith.index_cast %mul3A_179 : i32 to index
      %get3A_211 = arith.constant 16 : index
      %get3A_212 = tpu.vector_load %arg7[%get3A_210, %get3A_211] {strides = array<i32>} : memref<128x32xi32, #tpu.memory_space<vmem>>, vector<16xi32>,
      %gather3A_213 = tpu.vector_load_idx %arg8[%get3A_209] : memref<76800xf32, #tpu.memory_space<vmem>>[vector<16xi32>], vector<16xf32>,
      %gather3A_214 = tpu.vector_load_idx %arg8[%get3A_212] : memref<76800xf32, #tpu.memory_space<vmem>>[vector<16xi32>], vector<16xf32>,
      %lt3A_215 = arith.constant 14 : i32
      %lt3A_216 = vector.broadcast %lt3A_215 : i32 to vector<16xi32>
      %lt3A_217 = arith.cmpi slt, %iota3A, %lt3A_216 : vector<16xi32>
      %jit3A_218 = arith.constant 0.000000e+00 : f32
      %broadcast_in_dim3A_219 = vector.broadcast %jit3A_218 : f32 to vector<16xf32>
      %select_n3A_220 = arith.select %lt3A_217, %gather3A_214, %broadcast_in_dim3A_219 : vector<16xi1>, vector<16xf32>
      %add3A_221 = arith.addf %gather3A_213, %select_n3A_220 : vector<16xf32>
      %broadcast_in_dim3A_222 = arith.constant 0.000000e+00 : f32
      %broadcast_in_dim3A_223 = vector.broadcast %broadcast_in_dim3A_222 : f32 to vector<16xf32>
      %scan3A_224 = arith.constant 0 : i32
      %scan3A_225 = arith.constant 30 : i32
      %scan3A_226 = arith.addi %scan3A_224, %scan3A_225 : i32
      %scan3A_227 = arith.constant 1 : i32
      %scan3A_228 = scf.for %scan3A_388 = %scan3A_224 to %scan3A_226 step %scan3A_227 iter_args(%scan3A_389 = %broadcast_in_dim3A_223) -> (vector<16xf32>)  : i32 {
        %mul3A_390 = arith.constant 16 : i32
        %mul3A_391 = arith.muli %scan3A_388, %mul3A_390 : i32
        %scan3A_392 = arith.constant 0 : i32
        %scan3A_393 = arith.constant 30 : i32
        %scan3A_394 = arith.addi %scan3A_392, %scan3A_393 : i32
        %scan3A_395 = arith.constant 6 : i32
        %scan3A_396 = scf.for %scan3A_398 = %scan3A_392 to %scan3A_394 step %scan3A_395 iter_args(%scan3A_399 = %scan3A_389) -> (vector<16xf32>)  : i32 {
          %get3A_400 = arith.index_cast %scan3A_398 : i32 to index
          %get3A_401 = arith.index_cast %mul3A_391 : i32 to index
          %get3A_402 = tpu.vector_load %arg11[%get3A_400, %get3A_401] {strides = array<i32>} : memref<30x480xf32, #tpu.memory_space<vmem>>, vector<16xf32>,
          %mul3A_403 = arith.constant 16 : i32
          %mul3A_404 = arith.muli %scan3A_398, %mul3A_403 : i32
          %get3A_405 = arith.index_cast %scan3A_388 : i32 to index
          %get3A_406 = arith.index_cast %mul3A_404 : i32 to index
          %get3A_407 = tpu.vector_load %arg11[%get3A_405, %get3A_406] {strides = array<i32>} : memref<30x480xf32, #tpu.memory_space<vmem>>, vector<16xf32>,
          %mul3A_408 = arith.mulf %get3A_402, %get3A_407 : vector<16xf32>
          %add3A_409 = arith.addf %scan3A_399, %mul3A_408 : vector<16xf32>
          %scan3A_410 = arith.constant 1 : i32
          %scan3A_411 = arith.addi %scan3A_398, %scan3A_410 : i32
          %get3A_412 = arith.index_cast %scan3A_411 : i32 to index
          %get3A_413 = arith.index_cast %mul3A_391 : i32 to index
          %get3A_414 = tpu.vector_load %arg11[%get3A_412, %get3A_413] {strides = array<i32>} : memref<30x480xf32, #tpu.memory_space<vmem>>, vector<16xf32>,
          %mul3A_415 = arith.constant 16 : i32
          %mul3A_416 = arith.muli %scan3A_411, %mul3A_415 : i32
          %get3A_417 = arith.index_cast %scan3A_388 : i32 to index
          %get3A_418 = arith.index_cast %mul3A_416 : i32 to index
          %get3A_419 = tpu.vector_load %arg11[%get3A_417, %get3A_418] {strides = array<i32>} : memref<30x480xf32, #tpu.memory_space<vmem>>, vector<16xf32>,
          %mul3A_420 = arith.mulf %get3A_414, %get3A_419 : vector<16xf32>
          %add3A_421 = arith.addf %add3A_409, %mul3A_420 : vector<16xf32>
          %scan3A_422 = arith.constant 2 : i32
          %scan3A_423 = arith.addi %scan3A_398, %scan3A_422 : i32
          %get3A_424 = arith.index_cast %scan3A_423 : i32 to index
          %get3A_425 = arith.index_cast %mul3A_391 : i32 to index
          %get3A_426 = tpu.vector_load %arg11[%get3A_424, %get3A_425] {strides = array<i32>} : memref<30x480xf32, #tpu.memory_space<vmem>>, vector<16xf32>,
          %mul3A_427 = arith.constant 16 : i32
          %mul3A_428 = arith.muli %scan3A_423, %mul3A_427 : i32
          %get3A_429 = arith.index_cast %scan3A_388 : i32 to index
          %get3A_430 = arith.index_cast %mul3A_428 : i32 to index
          %get3A_431 = tpu.vector_load %arg11[%get3A_429, %get3A_430] {strides = array<i32>} : memref<30x480xf32, #tpu.memory_space<vmem>>, vector<16xf32>,
          %mul3A_432 = arith.mulf %get3A_426, %get3A_431 : vector<16xf32>
          %add3A_433 = arith.addf %add3A_421, %mul3A_432 : vector<16xf32>
          %scan3A_434 = arith.constant 3 : i32
          %scan3A_435 = arith.addi %scan3A_398, %scan3A_434 : i32
          %get3A_436 = arith.index_cast %scan3A_435 : i32 to index
          %get3A_437 = arith.index_cast %mul3A_391 : i32 to index
          %get3A_438 = tpu.vector_load %arg11[%get3A_436, %get3A_437] {strides = array<i32>} : memref<30x480xf32, #tpu.memory_space<vmem>>, vector<16xf32>,
          %mul3A_439 = arith.constant 16 : i32
          %mul3A_440 = arith.muli %scan3A_435, %mul3A_439 : i32
          %get3A_441 = arith.index_cast %scan3A_388 : i32 to index
          %get3A_442 = arith.index_cast %mul3A_440 : i32 to index
          %get3A_443 = tpu.vector_load %arg11[%get3A_441, %get3A_442] {strides = array<i32>} : memref<30x480xf32, #tpu.memory_space<vmem>>, vector<16xf32>,
          %mul3A_444 = arith.mulf %get3A_438, %get3A_443 : vector<16xf32>
          %add3A_445 = arith.addf %add3A_433, %mul3A_444 : vector<16xf32>
          %scan3A_446 = arith.constant 4 : i32
          %scan3A_447 = arith.addi %scan3A_398, %scan3A_446 : i32
          %get3A_448 = arith.index_cast %scan3A_447 : i32 to index
          %get3A_449 = arith.index_cast %mul3A_391 : i32 to index
          %get3A_450 = tpu.vector_load %arg11[%get3A_448, %get3A_449] {strides = array<i32>} : memref<30x480xf32, #tpu.memory_space<vmem>>, vector<16xf32>,
          %mul3A_451 = arith.constant 16 : i32
          %mul3A_452 = arith.muli %scan3A_447, %mul3A_451 : i32
          %get3A_453 = arith.index_cast %scan3A_388 : i32 to index
          %get3A_454 = arith.index_cast %mul3A_452 : i32 to index
          %get3A_455 = tpu.vector_load %arg11[%get3A_453, %get3A_454] {strides = array<i32>} : memref<30x480xf32, #tpu.memory_space<vmem>>, vector<16xf32>,
          %mul3A_456 = arith.mulf %get3A_450, %get3A_455 : vector<16xf32>
          %add3A_457 = arith.addf %add3A_445, %mul3A_456 : vector<16xf32>
          %scan3A_458 = arith.constant 5 : i32
          %scan3A_459 = arith.addi %scan3A_398, %scan3A_458 : i32
          %get3A_460 = arith.index_cast %scan3A_459 : i32 to index
          %get3A_461 = arith.index_cast %mul3A_391 : i32 to index
          %get3A_462 = tpu.vector_load %arg11[%get3A_460, %get3A_461] {strides = array<i32>} : memref<30x480xf32, #tpu.memory_space<vmem>>, vector<16xf32>,
          %mul3A_463 = arith.constant 16 : i32
          %mul3A_464 = arith.muli %scan3A_459, %mul3A_463 : i32
          %get3A_465 = arith.index_cast %scan3A_388 : i32 to index
          %get3A_466 = arith.index_cast %mul3A_464 : i32 to index
          %get3A_467 = tpu.vector_load %arg11[%get3A_465, %get3A_466] {strides = array<i32>} : memref<30x480xf32, #tpu.memory_space<vmem>>, vector<16xf32>,
          %mul3A_468 = arith.mulf %get3A_462, %get3A_467 : vector<16xf32>
          %add3A_469 = arith.addf %add3A_457, %mul3A_468 : vector<16xf32>
          scf.yield %add3A_469 : vector<16xf32>
        }
        %scan3A_397 = arith.constant 30 : i32
        scf.yield %scan3A_396 : vector<16xf32>
      }
      %scan3A_229 = arith.constant 30 : i32
      %broadcast_in_dim3A_230 = arith.constant 0.000000e+00 : f32
      %broadcast_in_dim3A_231 = vector.broadcast %broadcast_in_dim3A_230 : f32 to vector<16xf32>
      %scan3A_232 = arith.constant 0 : i32
      %scan3A_233 = arith.constant 30 : i32
      %scan3A_234 = arith.addi %scan3A_232, %scan3A_233 : i32
      %scan3A_235 = arith.constant 6 : i32
      %scan3A_236 = scf.for %scan3A_388 = %scan3A_232 to %scan3A_234 step %scan3A_235 iter_args(%scan3A_389 = %broadcast_in_dim3A_231) -> (vector<16xf32>)  : i32 {
        %mul3A_390 = arith.constant 16 : i32
        %mul3A_391 = arith.muli %scan3A_388, %mul3A_390 : i32
        %get3A_392 = arith.index_cast %scan3A_388 : i32 to index
        %get3A_393 = arith.index_cast %mul3A_391 : i32 to index
        %get3A_394 = tpu.vector_load %arg11[%get3A_392, %get3A_393] {strides = array<i32>} : memref<30x480xf32, #tpu.memory_space<vmem>>, vector<16xf32>,
        %mul3A_395 = arith.mulf %get3A_394, %get3A_394 : vector<16xf32>
        %add3A_396 = arith.addf %scan3A_389, %mul3A_395 : vector<16xf32>
        %scan3A_397 = arith.constant 1 : i32
        %scan3A_398 = arith.addi %scan3A_388, %scan3A_397 : i32
        %mul3A_399 = arith.constant 16 : i32
        %mul3A_400 = arith.muli %scan3A_398, %mul3A_399 : i32
        %get3A_401 = arith.index_cast %scan3A_398 : i32 to index
        %get3A_402 = arith.index_cast %mul3A_400 : i32 to index
        %get3A_403 = tpu.vector_load %arg11[%get3A_401, %get3A_402] {strides = array<i32>} : memref<30x480xf32, #tpu.memory_space<vmem>>, vector<16xf32>,
        %mul3A_404 = arith.mulf %get3A_403, %get3A_403 : vector<16xf32>
        %add3A_405 = arith.addf %add3A_396, %mul3A_404 : vector<16xf32>
        %scan3A_406 = arith.constant 2 : i32
        %scan3A_407 = arith.addi %scan3A_388, %scan3A_406 : i32
        %mul3A_408 = arith.constant 16 : i32
        %mul3A_409 = arith.muli %scan3A_407, %mul3A_408 : i32
        %get3A_410 = arith.index_cast %scan3A_407 : i32 to index
        %get3A_411 = arith.index_cast %mul3A_409 : i32 to index
        %get3A_412 = tpu.vector_load %arg11[%get3A_410, %get3A_411] {strides = array<i32>} : memref<30x480xf32, #tpu.memory_space<vmem>>, vector<16xf32>,
        %mul3A_413 = arith.mulf %get3A_412, %get3A_412 : vector<16xf32>
        %add3A_414 = arith.addf %add3A_405, %mul3A_413 : vector<16xf32>
        %scan3A_415 = arith.constant 3 : i32
        %scan3A_416 = arith.addi %scan3A_388, %scan3A_415 : i32
        %mul3A_417 = arith.constant 16 : i32
        %mul3A_418 = arith.muli %scan3A_416, %mul3A_417 : i32
        %get3A_419 = arith.index_cast %scan3A_416 : i32 to index
        %get3A_420 = arith.index_cast %mul3A_418 : i32 to index
        %get3A_421 = tpu.vector_load %arg11[%get3A_419, %get3A_420] {strides = array<i32>} : memref<30x480xf32, #tpu.memory_space<vmem>>, vector<16xf32>,
        %mul3A_422 = arith.mulf %get3A_421, %get3A_421 : vector<16xf32>
        %add3A_423 = arith.addf %add3A_414, %mul3A_422 : vector<16xf32>
        %scan3A_424 = arith.constant 4 : i32
        %scan3A_425 = arith.addi %scan3A_388, %scan3A_424 : i32
        %mul3A_426 = arith.constant 16 : i32
        %mul3A_427 = arith.muli %scan3A_425, %mul3A_426 : i32
        %get3A_428 = arith.index_cast %scan3A_425 : i32 to index
        %get3A_429 = arith.index_cast %mul3A_427 : i32 to index
        %get3A_430 = tpu.vector_load %arg11[%get3A_428, %get3A_429] {strides = array<i32>} : memref<30x480xf32, #tpu.memory_space<vmem>>, vector<16xf32>,
        %mul3A_431 = arith.mulf %get3A_430, %get3A_430 : vector<16xf32>
        %add3A_432 = arith.addf %add3A_423, %mul3A_431 : vector<16xf32>
        %scan3A_433 = arith.constant 5 : i32
        %scan3A_434 = arith.addi %scan3A_388, %scan3A_433 : i32
        %mul3A_435 = arith.constant 16 : i32
        %mul3A_436 = arith.muli %scan3A_434, %mul3A_435 : i32
        %get3A_437 = arith.index_cast %scan3A_434 : i32 to index
        %get3A_438 = arith.index_cast %mul3A_436 : i32 to index
        %get3A_439 = tpu.vector_load %arg11[%get3A_437, %get3A_438] {strides = array<i32>} : memref<30x480xf32, #tpu.memory_space<vmem>>, vector<16xf32>,
        %mul3A_440 = arith.mulf %get3A_439, %get3A_439 : vector<16xf32>
        %add3A_441 = arith.addf %add3A_432, %mul3A_440 : vector<16xf32>
        scf.yield %add3A_441 : vector<16xf32>
      }
      %scan3A_237 = arith.constant 30 : i32
      %sub3A_238 = arith.subf %scan3A_228, %scan3A_236 : vector<16xf32>
      %mul3A_239 = arith.constant 5.000000e-01 : f32
      %mul3A_240 = vector.broadcast %mul3A_239 : f32 to vector<16xf32>
      %mul3A_241 = arith.mulf %mul3A_240, %sub3A_238 : vector<16xf32>
      %add3A_242 = arith.addf %add3A_221, %mul3A_241 : vector<16xf32>
      %xor3A = arith.constant 1 : i32
      %xor3A_243 = vector.broadcast %xor3A : i32 to vector<16xi32>
      %xor3A_244 = arith.xori %iota3A, %xor3A_243 : vector<16xi32>
      %reshape3A_245 = vector.shape_cast %xor3A_244 : vector<16xi32> to vector<16x1xi32>
      %gather3A_246 = vector.shape_cast %reshape3A_245 : vector<16x1xi32> to vector<16xi32>
      %gather3A_247 = tpu.dynamic_gather %add3A_242[%gather3A_246] in [0] : vector<16xf32>, vector<16xi32> -> vector<16xf32>
      %add3A_248 = arith.addf %add3A_242, %gather3A_247 : vector<16xf32>
      %xor3A_249 = arith.constant 2 : i32
      %xor3A_250 = vector.broadcast %xor3A_249 : i32 to vector<16xi32>
      %xor3A_251 = arith.xori %iota3A, %xor3A_250 : vector<16xi32>
      %reshape3A_252 = vector.shape_cast %xor3A_251 : vector<16xi32> to vector<16x1xi32>
      %gather3A_253 = vector.shape_cast %reshape3A_252 : vector<16x1xi32> to vector<16xi32>
      %gather3A_254 = tpu.dynamic_gather %add3A_248[%gather3A_253] in [0] : vector<16xf32>, vector<16xi32> -> vector<16xf32>
      %add3A_255 = arith.addf %add3A_248, %gather3A_254 : vector<16xf32>
      %xor3A_256 = arith.constant 4 : i32
      %xor3A_257 = vector.broadcast %xor3A_256 : i32 to vector<16xi32>
      %xor3A_258 = arith.xori %iota3A, %xor3A_257 : vector<16xi32>
      %reshape3A_259 = vector.shape_cast %xor3A_258 : vector<16xi32> to vector<16x1xi32>
      %gather3A_260 = vector.shape_cast %reshape3A_259 : vector<16x1xi32> to vector<16xi32>
      %gather3A_261 = tpu.dynamic_gather %add3A_255[%gather3A_260] in [0] : vector<16xf32>, vector<16xi32> -> vector<16xf32>
      %add3A_262 = arith.addf %add3A_255, %gather3A_261 : vector<16xf32>
      %xor3A_263 = arith.constant 8 : i32
      %xor3A_264 = vector.broadcast %xor3A_263 : i32 to vector<16xi32>
      %xor3A_265 = arith.xori %iota3A, %xor3A_264 : vector<16xi32>
      %reshape3A_266 = vector.shape_cast %xor3A_265 : vector<16xi32> to vector<16x1xi32>
      %gather3A_267 = vector.shape_cast %reshape3A_266 : vector<16x1xi32> to vector<16xi32>
      %gather3A_268 = tpu.dynamic_gather %add3A_262[%gather3A_267] in [0] : vector<16xf32>, vector<16xi32> -> vector<16xf32>
      %add3A_269 = arith.addf %add3A_262, %gather3A_268 : vector<16xf32>
      %jit3A_270 = arith.constant 16 : i32
      %eq3A = arith.constant 0 : i32
      %eq3A_271 = arith.cmpi eq, %jit3A_270, %eq3A : i32
      %jit3A_272 = arith.constant 1 : i32
      %select_n3A_273 = arith.select %eq3A_271, %jit3A_272, %jit3A_270 : i32
      %rem3A = arith.remsi %mul3A_179, %select_n3A_273 : i32
      %ne3A = arith.constant 0 : i32
      %ne3A_274 = arith.cmpi ne, %rem3A, %ne3A : i32
      %lt3A_275 = arith.constant 0 : i32
      %lt3A_276 = arith.cmpi slt, %rem3A, %lt3A_275 : i32
      %lt3A_277 = arith.constant 0 : i32
      %lt3A_278 = arith.cmpi slt, %select_n3A_273, %lt3A_277 : i32
      %ne3A_279 = arith.xori %lt3A_276, %lt3A_278 : i1
      %and3A = arith.andi %ne3A_279, %ne3A_274 : i1
      %add3A_280 = arith.addi %rem3A, %select_n3A_273 : i32
      %select_n3A_281 = arith.select %and3A, %add3A_280, %rem3A : i32
      %eq3A_282 = vector.broadcast %select_n3A_281 : i32 to vector<16xi32>
      %eq3A_283 = arith.cmpi eq, %iota3A, %eq3A_282 : vector<16xi32>
      %select_n3A_284 = arith.select %eq3A_283, %add3A_269, %scan3A_177 : vector<16xi1>, vector<16xf32>
      %eq3A_285 = arith.constant 15 : i32
      %eq3A_286 = arith.cmpi eq, %select_n3A_281, %eq3A_285 : i32
      %convert_element_type3A = arith.extui %eq3A_286 : i1 to i32
      %cond3A = arith.constant 0 : i32
      %cond3A_287 = arith.cmpi ne, %convert_element_type3A, %cond3A : i32
      scf.if %cond3A_287 {
        %jit3A_388 = arith.constant 16 : i32
        %div3A_389 = arith.divsi %mul3A_179, %jit3A_388 : i32
        %sign3A = arith.constant 0 : i32
        %sign3A_390 = arith.cmpi sgt, %mul3A_179, %sign3A : i32
        %sign3A_391 = arith.extui %sign3A_390 : i1 to i32
        %sign3A_392 = arith.constant 0 : i32
        %sign3A_393 = arith.cmpi slt, %mul3A_179, %sign3A_392 : i32
        %sign3A_394 = arith.extui %sign3A_393 : i1 to i32
        %sign3A_395 = arith.subi %sign3A_391, %sign3A_394 : i32
        %sign3A_396 = arith.constant 0 : i32
        %sign3A_397 = arith.cmpi sgt, %jit3A_388, %sign3A_396 : i32
        %sign3A_398 = arith.extui %sign3A_397 : i1 to i32
        %sign3A_399 = arith.constant 0 : i32
        %sign3A_400 = arith.cmpi slt, %jit3A_388, %sign3A_399 : i32
        %sign3A_401 = arith.extui %sign3A_400 : i1 to i32
        %sign3A_402 = arith.subi %sign3A_398, %sign3A_401 : i32
        %ne3A_403 = arith.cmpi ne, %sign3A_395, %sign3A_402 : i32
        %rem3A_404 = arith.remsi %mul3A_179, %jit3A_388 : i32
        %ne3A_405 = arith.constant 0 : i32
        %ne3A_406 = arith.cmpi ne, %rem3A_404, %ne3A_405 : i32
        %and3A_407 = arith.andi %ne3A_403, %ne3A_406 : i1
        %sub3A_408 = arith.constant 1 : i32
        %sub3A_409 = arith.subi %div3A_389, %sub3A_408 : i32
        %select_n3A_410 = arith.select %and3A_407, %sub3A_409, %div3A_389 : i32
        %mul3A_411 = arith.constant 16 : i32
        %mul3A_412 = arith.muli %select_n3A_410, %mul3A_411 : i32
        %multiple_of3A = tpu.assume_multiple %mul3A_412, 16 : i32
        %swap3A_413 = arith.index_cast %multiple_of3A : i32 to index
        %swap3A_414 = tpu.vector_load %arg13[%swap3A_413] {strides = array<i32>} : memref<128xf32, #tpu.memory_space<vmem>>, vector<16xf32>,
        tpu.vector_store %arg13[%swap3A_413], %select_n3A_284 {strides = array<i32>} : memref<128xf32, #tpu.memory_space<vmem>>, vector<16xf32>,
      } else {
      }
      %add3A_288 = arith.constant 2 : i32
      %add3A_289 = arith.addi %mul3A_179, %add3A_288 : i32
      %lt3A_290 = arith.constant 128 : i32
      %lt3A_291 = arith.cmpi slt, %add3A_289, %lt3A_290 : i32
      %convert_element_type3A_292 = arith.extui %lt3A_291 : i1 to i32
      %cond3A_293 = arith.constant 0 : i32
      %cond3A_294 = arith.cmpi ne, %convert_element_type3A_292, %cond3A_293 : i32
      scf.if %cond3A_294 {
        %add3A_388 = arith.constant 2 : i32
        %add3A_389 = arith.addi %mul3A_179, %add3A_388 : i32
        %get3A_390 = arith.index_cast %add3A_389 : i32 to index
        %get3A_391 = arith.constant 0 : index
        %get3A_392 = tpu.vector_load %arg7[%get3A_390, %get3A_391] {strides = array<i32>} : memref<128x32xi32, #tpu.memory_space<vmem>>, vector<16xi32>,
        %get3A_393 = arith.index_cast %add3A_389 : i32 to index
        %get3A_394 = arith.constant 16 : index
        %get3A_395 = tpu.vector_load %arg7[%get3A_393, %get3A_394] {strides = array<i32>} : memref<128x32xi32, #tpu.memory_space<vmem>>, vector<16xi32>,
        %swap3A_396 = arith.constant 0 : index
        %swap3A_397 = tpu.vector_load %arg9[%swap3A_396] {strides = array<i32>} : memref<30xi32, #tpu.memory_space<vmem>>, vector<16xi32>,
        tpu.vector_store %arg9[%swap3A_396], %get3A_392 {strides = array<i32>} : memref<30xi32, #tpu.memory_space<vmem>>, vector<16xi32>,
        %lt3A_398 = arith.constant 2 : i32
        %lt3A_399 = vector.broadcast %lt3A_398 : i32 to vector<16xi32>
        %lt3A_400 = arith.cmpi slt, %iota3A, %lt3A_399 : vector<16xi32>
        %reshape3A_401 = vector.shape_cast %select_n3A : vector<16xi32> to vector<16x1xi32>
        %gather3A_402 = vector.shape_cast %reshape3A_401 : vector<16x1xi32> to vector<16xi32>
        %gather3A_403 = tpu.dynamic_gather %get3A_392[%gather3A_402] in [0] : vector<16xi32>, vector<16xi32> -> vector<16xi32>
        %reshape3A_404 = vector.shape_cast %select_n3A_15 : vector<16xi32> to vector<16x1xi32>
        %gather3A_405 = vector.shape_cast %reshape3A_404 : vector<16x1xi32> to vector<16xi32>
        %gather3A_406 = tpu.dynamic_gather %get3A_395[%gather3A_405] in [0] : vector<16xi32>, vector<16xi32> -> vector<16xi32>
        %select_n3A_407 = arith.select %lt3A_400, %gather3A_403, %gather3A_406 : vector<16xi1>, vector<16xi32>
        %swap3A_408 = arith.constant 14 : index
        %swap3A_409 = tpu.vector_load %arg9[%swap3A_408] {strides = array<i32>} : memref<30xi32, #tpu.memory_space<vmem>>, vector<16xi32>,
        tpu.vector_store %arg9[%swap3A_408], %select_n3A_407 {strides = array<i32>} : memref<30xi32, #tpu.memory_space<vmem>>, vector<16xi32>,
        %dma_start3A_410 = arith.constant 0 : i32
        %dma_start3A_411 = arith.constant 0 : i32
        %dma_start3A_412 = tpu.memref_slice %arg2[%dma_start3A_410, %dma_start3A_411] : memref<76800x480xf32, #tpu.memory_space<hbm>> -> memref<76800x480xf32, #tpu.memory_space<hbm>>
        tpu.enqueue_indirect_dma source(%dma_start3A_412 : memref<76800x480xf32, #tpu.memory_space<hbm>>) target(%arg11 : memref<30x480xf32, #tpu.memory_space<vmem>>) offsets(%arg9 : memref<30xi32, #tpu.memory_space<vmem>>) semaphore(%arg15 : memref<!tpu.dma_semaphore, #tpu.memory_space<semaphore_mem>>)
      } else {
      }
      %dma_wait3A_295 = arith.constant 0 : i32
      %dma_wait3A_296 = arith.constant 0 : i32
      %dma_wait3A_297 = tpu.memref_slice %arg2[%dma_wait3A_295, %dma_wait3A_296] : memref<76800x480xf32, #tpu.memory_space<hbm>> -> memref<76800x480xf32, #tpu.memory_space<hbm>>
      tpu.wait_indirect_dma semaphore(%arg16 : memref<!tpu.dma_semaphore, #tpu.memory_space<semaphore_mem>>) src(%dma_wait3A_297 : memref<76800x480xf32, #tpu.memory_space<hbm>>) dst(%arg12 : memref<30x480xf32, #tpu.memory_space<vmem>>)
      %add3A_298 = arith.constant 1 : i32
      %add3A_299 = arith.addi %mul3A_179, %add3A_298 : i32
      %get3A_300 = arith.index_cast %add3A_299 : i32 to index
      %get3A_301 = arith.constant 0 : index
      %get3A_302 = tpu.vector_load %arg7[%get3A_300, %get3A_301] {strides = array<i32>} : memref<128x32xi32, #tpu.memory_space<vmem>>, vector<16xi32>,
      %get3A_303 = arith.index_cast %add3A_299 : i32 to index
      %get3A_304 = arith.constant 16 : index
      %get3A_305 = tpu.vector_load %arg7[%get3A_303, %get3A_304] {strides = array<i32>} : memref<128x32xi32, #tpu.memory_space<vmem>>, vector<16xi32>,
      %gather3A_306 = tpu.vector_load_idx %arg8[%get3A_302] : memref<76800xf32, #tpu.memory_space<vmem>>[vector<16xi32>], vector<16xf32>,
      %gather3A_307 = tpu.vector_load_idx %arg8[%get3A_305] : memref<76800xf32, #tpu.memory_space<vmem>>[vector<16xi32>], vector<16xf32>,
      %lt3A_308 = arith.constant 14 : i32
      %lt3A_309 = vector.broadcast %lt3A_308 : i32 to vector<16xi32>
      %lt3A_310 = arith.cmpi slt, %iota3A, %lt3A_309 : vector<16xi32>
      %jit3A_311 = arith.constant 0.000000e+00 : f32
      %broadcast_in_dim3A_312 = vector.broadcast %jit3A_311 : f32 to vector<16xf32>
      %select_n3A_313 = arith.select %lt3A_310, %gather3A_307, %broadcast_in_dim3A_312 : vector<16xi1>, vector<16xf32>
      %add3A_314 = arith.addf %gather3A_306, %select_n3A_313 : vector<16xf32>
      %broadcast_in_dim3A_315 = arith.constant 0.000000e+00 : f32
      %broadcast_in_dim3A_316 = vector.broadcast %broadcast_in_dim3A_315 : f32 to vector<16xf32>
      %scan3A_317 = arith.constant 0 : i32
      %scan3A_318 = arith.constant 30 : i32
      %scan3A_319 = arith.addi %scan3A_317, %scan3A_318 : i32
      %scan3A_320 = arith.constant 1 : i32
      %scan3A_321 = scf.for %scan3A_388 = %scan3A_317 to %scan3A_319 step %scan3A_320 iter_args(%scan3A_389 = %broadcast_in_dim3A_316) -> (vector<16xf32>)  : i32 {
        %mul3A_390 = arith.constant 16 : i32
        %mul3A_391 = arith.muli %scan3A_388, %mul3A_390 : i32
        %scan3A_392 = arith.constant 0 : i32
        %scan3A_393 = arith.constant 30 : i32
        %scan3A_394 = arith.addi %scan3A_392, %scan3A_393 : i32
        %scan3A_395 = arith.constant 6 : i32
        %scan3A_396 = scf.for %scan3A_398 = %scan3A_392 to %scan3A_394 step %scan3A_395 iter_args(%scan3A_399 = %scan3A_389) -> (vector<16xf32>)  : i32 {
          %get3A_400 = arith.index_cast %scan3A_398 : i32 to index
          %get3A_401 = arith.index_cast %mul3A_391 : i32 to index
          %get3A_402 = tpu.vector_load %arg12[%get3A_400, %get3A_401] {strides = array<i32>} : memref<30x480xf32, #tpu.memory_space<vmem>>, vector<16xf32>,
          %mul3A_403 = arith.constant 16 : i32
          %mul3A_404 = arith.muli %scan3A_398, %mul3A_403 : i32
          %get3A_405 = arith.index_cast %scan3A_388 : i32 to index
          %get3A_406 = arith.index_cast %mul3A_404 : i32 to index
          %get3A_407 = tpu.vector_load %arg12[%get3A_405, %get3A_406] {strides = array<i32>} : memref<30x480xf32, #tpu.memory_space<vmem>>, vector<16xf32>,
          %mul3A_408 = arith.mulf %get3A_402, %get3A_407 : vector<16xf32>
          %add3A_409 = arith.addf %scan3A_399, %mul3A_408 : vector<16xf32>
          %scan3A_410 = arith.constant 1 : i32
          %scan3A_411 = arith.addi %scan3A_398, %scan3A_410 : i32
          %get3A_412 = arith.index_cast %scan3A_411 : i32 to index
          %get3A_413 = arith.index_cast %mul3A_391 : i32 to index
          %get3A_414 = tpu.vector_load %arg12[%get3A_412, %get3A_413] {strides = array<i32>} : memref<30x480xf32, #tpu.memory_space<vmem>>, vector<16xf32>,
          %mul3A_415 = arith.constant 16 : i32
          %mul3A_416 = arith.muli %scan3A_411, %mul3A_415 : i32
          %get3A_417 = arith.index_cast %scan3A_388 : i32 to index
          %get3A_418 = arith.index_cast %mul3A_416 : i32 to index
          %get3A_419 = tpu.vector_load %arg12[%get3A_417, %get3A_418] {strides = array<i32>} : memref<30x480xf32, #tpu.memory_space<vmem>>, vector<16xf32>,
          %mul3A_420 = arith.mulf %get3A_414, %get3A_419 : vector<16xf32>
          %add3A_421 = arith.addf %add3A_409, %mul3A_420 : vector<16xf32>
          %scan3A_422 = arith.constant 2 : i32
          %scan3A_423 = arith.addi %scan3A_398, %scan3A_422 : i32
          %get3A_424 = arith.index_cast %scan3A_423 : i32 to index
          %get3A_425 = arith.index_cast %mul3A_391 : i32 to index
          %get3A_426 = tpu.vector_load %arg12[%get3A_424, %get3A_425] {strides = array<i32>} : memref<30x480xf32, #tpu.memory_space<vmem>>, vector<16xf32>,
          %mul3A_427 = arith.constant 16 : i32
          %mul3A_428 = arith.muli %scan3A_423, %mul3A_427 : i32
          %get3A_429 = arith.index_cast %scan3A_388 : i32 to index
          %get3A_430 = arith.index_cast %mul3A_428 : i32 to index
          %get3A_431 = tpu.vector_load %arg12[%get3A_429, %get3A_430] {strides = array<i32>} : memref<30x480xf32, #tpu.memory_space<vmem>>, vector<16xf32>,
          %mul3A_432 = arith.mulf %get3A_426, %get3A_431 : vector<16xf32>
          %add3A_433 = arith.addf %add3A_421, %mul3A_432 : vector<16xf32>
          %scan3A_434 = arith.constant 3 : i32
          %scan3A_435 = arith.addi %scan3A_398, %scan3A_434 : i32
          %get3A_436 = arith.index_cast %scan3A_435 : i32 to index
          %get3A_437 = arith.index_cast %mul3A_391 : i32 to index
          %get3A_438 = tpu.vector_load %arg12[%get3A_436, %get3A_437] {strides = array<i32>} : memref<30x480xf32, #tpu.memory_space<vmem>>, vector<16xf32>,
          %mul3A_439 = arith.constant 16 : i32
          %mul3A_440 = arith.muli %scan3A_435, %mul3A_439 : i32
          %get3A_441 = arith.index_cast %scan3A_388 : i32 to index
          %get3A_442 = arith.index_cast %mul3A_440 : i32 to index
          %get3A_443 = tpu.vector_load %arg12[%get3A_441, %get3A_442] {strides = array<i32>} : memref<30x480xf32, #tpu.memory_space<vmem>>, vector<16xf32>,
          %mul3A_444 = arith.mulf %get3A_438, %get3A_443 : vector<16xf32>
          %add3A_445 = arith.addf %add3A_433, %mul3A_444 : vector<16xf32>
          %scan3A_446 = arith.constant 4 : i32
          %scan3A_447 = arith.addi %scan3A_398, %scan3A_446 : i32
          %get3A_448 = arith.index_cast %scan3A_447 : i32 to index
          %get3A_449 = arith.index_cast %mul3A_391 : i32 to index
          %get3A_450 = tpu.vector_load %arg12[%get3A_448, %get3A_449] {strides = array<i32>} : memref<30x480xf32, #tpu.memory_space<vmem>>, vector<16xf32>,
          %mul3A_451 = arith.constant 16 : i32
          %mul3A_452 = arith.muli %scan3A_447, %mul3A_451 : i32
          %get3A_453 = arith.index_cast %scan3A_388 : i32 to index
          %get3A_454 = arith.index_cast %mul3A_452 : i32 to index
          %get3A_455 = tpu.vector_load %arg12[%get3A_453, %get3A_454] {strides = array<i32>} : memref<30x480xf32, #tpu.memory_space<vmem>>, vector<16xf32>,
          %mul3A_456 = arith.mulf %get3A_450, %get3A_455 : vector<16xf32>
          %add3A_457 = arith.addf %add3A_445, %mul3A_456 : vector<16xf32>
          %scan3A_458 = arith.constant 5 : i32
          %scan3A_459 = arith.addi %scan3A_398, %scan3A_458 : i32
          %get3A_460 = arith.index_cast %scan3A_459 : i32 to index
          %get3A_461 = arith.index_cast %mul3A_391 : i32 to index
          %get3A_462 = tpu.vector_load %arg12[%get3A_460, %get3A_461] {strides = array<i32>} : memref<30x480xf32, #tpu.memory_space<vmem>>, vector<16xf32>,
          %mul3A_463 = arith.constant 16 : i32
          %mul3A_464 = arith.muli %scan3A_459, %mul3A_463 : i32
          %get3A_465 = arith.index_cast %scan3A_388 : i32 to index
          %get3A_466 = arith.index_cast %mul3A_464 : i32 to index
          %get3A_467 = tpu.vector_load %arg12[%get3A_465, %get3A_466] {strides = array<i32>} : memref<30x480xf32, #tpu.memory_space<vmem>>, vector<16xf32>,
          %mul3A_468 = arith.mulf %get3A_462, %get3A_467 : vector<16xf32>
          %add3A_469 = arith.addf %add3A_457, %mul3A_468 : vector<16xf32>
          scf.yield %add3A_469 : vector<16xf32>
        }
        %scan3A_397 = arith.constant 30 : i32
        scf.yield %scan3A_396 : vector<16xf32>
      }
      %scan3A_322 = arith.constant 30 : i32
      %broadcast_in_dim3A_323 = arith.constant 0.000000e+00 : f32
      %broadcast_in_dim3A_324 = vector.broadcast %broadcast_in_dim3A_323 : f32 to vector<16xf32>
      %scan3A_325 = arith.constant 0 : i32
      %scan3A_326 = arith.constant 30 : i32
      %scan3A_327 = arith.addi %scan3A_325, %scan3A_326 : i32
      %scan3A_328 = arith.constant 6 : i32
      %scan3A_329 = scf.for %scan3A_388 = %scan3A_325 to %scan3A_327 step %scan3A_328 iter_args(%scan3A_389 = %broadcast_in_dim3A_324) -> (vector<16xf32>)  : i32 {
        %mul3A_390 = arith.constant 16 : i32
        %mul3A_391 = arith.muli %scan3A_388, %mul3A_390 : i32
        %get3A_392 = arith.index_cast %scan3A_388 : i32 to index
        %get3A_393 = arith.index_cast %mul3A_391 : i32 to index
        %get3A_394 = tpu.vector_load %arg12[%get3A_392, %get3A_393] {strides = array<i32>} : memref<30x480xf32, #tpu.memory_space<vmem>>, vector<16xf32>,
        %mul3A_395 = arith.mulf %get3A_394, %get3A_394 : vector<16xf32>
        %add3A_396 = arith.addf %scan3A_389, %mul3A_395 : vector<16xf32>
        %scan3A_397 = arith.constant 1 : i32
        %scan3A_398 = arith.addi %scan3A_388, %scan3A_397 : i32
        %mul3A_399 = arith.constant 16 : i32
        %mul3A_400 = arith.muli %scan3A_398, %mul3A_399 : i32
        %get3A_401 = arith.index_cast %scan3A_398 : i32 to index
        %get3A_402 = arith.index_cast %mul3A_400 : i32 to index
        %get3A_403 = tpu.vector_load %arg12[%get3A_401, %get3A_402] {strides = array<i32>} : memref<30x480xf32, #tpu.memory_space<vmem>>, vector<16xf32>,
        %mul3A_404 = arith.mulf %get3A_403, %get3A_403 : vector<16xf32>
        %add3A_405 = arith.addf %add3A_396, %mul3A_404 : vector<16xf32>
        %scan3A_406 = arith.constant 2 : i32
        %scan3A_407 = arith.addi %scan3A_388, %scan3A_406 : i32
        %mul3A_408 = arith.constant 16 : i32
        %mul3A_409 = arith.muli %scan3A_407, %mul3A_408 : i32
        %get3A_410 = arith.index_cast %scan3A_407 : i32 to index
        %get3A_411 = arith.index_cast %mul3A_409 : i32 to index
        %get3A_412 = tpu.vector_load %arg12[%get3A_410, %get3A_411] {strides = array<i32>} : memref<30x480xf32, #tpu.memory_space<vmem>>, vector<16xf32>,
        %mul3A_413 = arith.mulf %get3A_412, %get3A_412 : vector<16xf32>
        %add3A_414 = arith.addf %add3A_405, %mul3A_413 : vector<16xf32>
        %scan3A_415 = arith.constant 3 : i32
        %scan3A_416 = arith.addi %scan3A_388, %scan3A_415 : i32
        %mul3A_417 = arith.constant 16 : i32
        %mul3A_418 = arith.muli %scan3A_416, %mul3A_417 : i32
        %get3A_419 = arith.index_cast %scan3A_416 : i32 to index
        %get3A_420 = arith.index_cast %mul3A_418 : i32 to index
        %get3A_421 = tpu.vector_load %arg12[%get3A_419, %get3A_420] {strides = array<i32>} : memref<30x480xf32, #tpu.memory_space<vmem>>, vector<16xf32>,
        %mul3A_422 = arith.mulf %get3A_421, %get3A_421 : vector<16xf32>
        %add3A_423 = arith.addf %add3A_414, %mul3A_422 : vector<16xf32>
        %scan3A_424 = arith.constant 4 : i32
        %scan3A_425 = arith.addi %scan3A_388, %scan3A_424 : i32
        %mul3A_426 = arith.constant 16 : i32
        %mul3A_427 = arith.muli %scan3A_425, %mul3A_426 : i32
        %get3A_428 = arith.index_cast %scan3A_425 : i32 to index
        %get3A_429 = arith.index_cast %mul3A_427 : i32 to index
        %get3A_430 = tpu.vector_load %arg12[%get3A_428, %get3A_429] {strides = array<i32>} : memref<30x480xf32, #tpu.memory_space<vmem>>, vector<16xf32>,
        %mul3A_431 = arith.mulf %get3A_430, %get3A_430 : vector<16xf32>
        %add3A_432 = arith.addf %add3A_423, %mul3A_431 : vector<16xf32>
        %scan3A_433 = arith.constant 5 : i32
        %scan3A_434 = arith.addi %scan3A_388, %scan3A_433 : i32
        %mul3A_435 = arith.constant 16 : i32
        %mul3A_436 = arith.muli %scan3A_434, %mul3A_435 : i32
        %get3A_437 = arith.index_cast %scan3A_434 : i32 to index
        %get3A_438 = arith.index_cast %mul3A_436 : i32 to index
        %get3A_439 = tpu.vector_load %arg12[%get3A_437, %get3A_438] {strides = array<i32>} : memref<30x480xf32, #tpu.memory_space<vmem>>, vector<16xf32>,
        %mul3A_440 = arith.mulf %get3A_439, %get3A_439 : vector<16xf32>
        %add3A_441 = arith.addf %add3A_432, %mul3A_440 : vector<16xf32>
        scf.yield %add3A_441 : vector<16xf32>
      }
      %scan3A_330 = arith.constant 30 : i32
      %sub3A_331 = arith.subf %scan3A_321, %scan3A_329 : vector<16xf32>
      %mul3A_332 = arith.constant 5.000000e-01 : f32
      %mul3A_333 = vector.broadcast %mul3A_332 : f32 to vector<16xf32>
      %mul3A_334 = arith.mulf %mul3A_333, %sub3A_331 : vector<16xf32>
      %add3A_335 = arith.addf %add3A_314, %mul3A_334 : vector<16xf32>
      %xor3A_336 = arith.constant 1 : i32
      %xor3A_337 = vector.broadcast %xor3A_336 : i32 to vector<16xi32>
      %xor3A_338 = arith.xori %iota3A, %xor3A_337 : vector<16xi32>
      %reshape3A_339 = vector.shape_cast %xor3A_338 : vector<16xi32> to vector<16x1xi32>
      %gather3A_340 = vector.shape_cast %reshape3A_339 : vector<16x1xi32> to vector<16xi32>
      %gather3A_341 = tpu.dynamic_gather %add3A_335[%gather3A_340] in [0] : vector<16xf32>, vector<16xi32> -> vector<16xf32>
      %add3A_342 = arith.addf %add3A_335, %gather3A_341 : vector<16xf32>
      %xor3A_343 = arith.constant 2 : i32
      %xor3A_344 = vector.broadcast %xor3A_343 : i32 to vector<16xi32>
      %xor3A_345 = arith.xori %iota3A, %xor3A_344 : vector<16xi32>
      %reshape3A_346 = vector.shape_cast %xor3A_345 : vector<16xi32> to vector<16x1xi32>
      %gather3A_347 = vector.shape_cast %reshape3A_346 : vector<16x1xi32> to vector<16xi32>
      %gather3A_348 = tpu.dynamic_gather %add3A_342[%gather3A_347] in [0] : vector<16xf32>, vector<16xi32> -> vector<16xf32>
      %add3A_349 = arith.addf %add3A_342, %gather3A_348 : vector<16xf32>
      %xor3A_350 = arith.constant 4 : i32
      %xor3A_351 = vector.broadcast %xor3A_350 : i32 to vector<16xi32>
      %xor3A_352 = arith.xori %iota3A, %xor3A_351 : vector<16xi32>
      %reshape3A_353 = vector.shape_cast %xor3A_352 : vector<16xi32> to vector<16x1xi32>
      %gather3A_354 = vector.shape_cast %reshape3A_353 : vector<16x1xi32> to vector<16xi32>
      %gather3A_355 = tpu.dynamic_gather %add3A_349[%gather3A_354] in [0] : vector<16xf32>, vector<16xi32> -> vector<16xf32>
      %add3A_356 = arith.addf %add3A_349, %gather3A_355 : vector<16xf32>
      %xor3A_357 = arith.constant 8 : i32
      %xor3A_358 = vector.broadcast %xor3A_357 : i32 to vector<16xi32>
      %xor3A_359 = arith.xori %iota3A, %xor3A_358 : vector<16xi32>
      %reshape3A_360 = vector.shape_cast %xor3A_359 : vector<16xi32> to vector<16x1xi32>
      %gather3A_361 = vector.shape_cast %reshape3A_360 : vector<16x1xi32> to vector<16xi32>
      %gather3A_362 = tpu.dynamic_gather %add3A_356[%gather3A_361] in [0] : vector<16xf32>, vector<16xi32> -> vector<16xf32>
      %add3A_363 = arith.addf %add3A_356, %gather3A_362 : vector<16xf32>
      %jit3A_364 = arith.constant 16 : i32
      %eq3A_365 = arith.constant 0 : i32
      %eq3A_366 = arith.cmpi eq, %jit3A_364, %eq3A_365 : i32
      %jit3A_367 = arith.constant 1 : i32
      %select_n3A_368 = arith.select %eq3A_366, %jit3A_367, %jit3A_364 : i32
      %rem3A_369 = arith.remsi %add3A_299, %select_n3A_368 : i32
      %ne3A_370 = arith.constant 0 : i32
      %ne3A_371 = arith.cmpi ne, %rem3A_369, %ne3A_370 : i32
      %lt3A_372 = arith.constant 0 : i32
      %lt3A_373 = arith.cmpi slt, %rem3A_369, %lt3A_372 : i32
      %lt3A_374 = arith.constant 0 : i32
      %lt3A_375 = arith.cmpi slt, %select_n3A_368, %lt3A_374 : i32
      %ne3A_376 = arith.xori %lt3A_373, %lt3A_375 : i1
      %and3A_377 = arith.andi %ne3A_376, %ne3A_371 : i1
      %add3A_378 = arith.addi %rem3A_369, %select_n3A_368 : i32
      %select_n3A_379 = arith.select %and3A_377, %add3A_378, %rem3A_369 : i32
      %eq3A_380 = vector.broadcast %select_n3A_379 : i32 to vector<16xi32>
      %eq3A_381 = arith.cmpi eq, %iota3A, %eq3A_380 : vector<16xi32>
      %select_n3A_382 = arith.select %eq3A_381, %add3A_363, %select_n3A_284 : vector<16xi1>, vector<16xf32>
      %eq3A_383 = arith.constant 15 : i32
      %eq3A_384 = arith.cmpi eq, %select_n3A_379, %eq3A_383 : i32
      %convert_element_type3A_385 = arith.extui %eq3A_384 : i1 to i32
      %cond3A_386 = arith.constant 0 : i32
      %cond3A_387 = arith.cmpi ne, %convert_element_type3A_385, %cond3A_386 : i32
      scf.if %cond3A_387 {
        %jit3A_388 = arith.constant 16 : i32
        %div3A_389 = arith.divsi %add3A_299, %jit3A_388 : i32
        %sign3A = arith.constant 0 : i32
        %sign3A_390 = arith.cmpi sgt, %add3A_299, %sign3A : i32
        %sign3A_391 = arith.extui %sign3A_390 : i1 to i32
        %sign3A_392 = arith.constant 0 : i32
        %sign3A_393 = arith.cmpi slt, %add3A_299, %sign3A_392 : i32
        %sign3A_394 = arith.extui %sign3A_393 : i1 to i32
        %sign3A_395 = arith.subi %sign3A_391, %sign3A_394 : i32
        %sign3A_396 = arith.constant 0 : i32
        %sign3A_397 = arith.cmpi sgt, %jit3A_388, %sign3A_396 : i32
        %sign3A_398 = arith.extui %sign3A_397 : i1 to i32
        %sign3A_399 = arith.constant 0 : i32
        %sign3A_400 = arith.cmpi slt, %jit3A_388, %sign3A_399 : i32
        %sign3A_401 = arith.extui %sign3A_400 : i1 to i32
        %sign3A_402 = arith.subi %sign3A_398, %sign3A_401 : i32
        %ne3A_403 = arith.cmpi ne, %sign3A_395, %sign3A_402 : i32
        %rem3A_404 = arith.remsi %add3A_299, %jit3A_388 : i32
        %ne3A_405 = arith.constant 0 : i32
        %ne3A_406 = arith.cmpi ne, %rem3A_404, %ne3A_405 : i32
        %and3A_407 = arith.andi %ne3A_403, %ne3A_406 : i1
        %sub3A_408 = arith.constant 1 : i32
        %sub3A_409 = arith.subi %div3A_389, %sub3A_408 : i32
        %select_n3A_410 = arith.select %and3A_407, %sub3A_409, %div3A_389 : i32
        %mul3A_411 = arith.constant 16 : i32
        %mul3A_412 = arith.muli %select_n3A_410, %mul3A_411 : i32
        %multiple_of3A = tpu.assume_multiple %mul3A_412, 16 : i32
        %swap3A_413 = arith.index_cast %multiple_of3A : i32 to index
        %swap3A_414 = tpu.vector_load %arg13[%swap3A_413] {strides = array<i32>} : memref<128xf32, #tpu.memory_space<vmem>>, vector<16xf32>,
        tpu.vector_store %arg13[%swap3A_413], %select_n3A_382 {strides = array<i32>} : memref<128xf32, #tpu.memory_space<vmem>>, vector<16xf32>,
      } else {
      }
      scf.yield %select_n3A_382 : vector<16xf32>
    }
    %scan3A_42 = arith.constant 64 : i32
    %get3A_43 = arith.constant 0 : index
    %get3A_44 = tpu.vector_load %arg13[%get3A_43] {strides = array<i32>} : memref<128xf32, #tpu.memory_space<vmem>>, vector<16xf32>,
    %get3A_45 = arith.constant 0 : index
    %get3A_46 = tpu.vector_load %arg14[%get3A_45] {strides = array<i32>} : memref<16xf32, #tpu.memory_space<vmem>>, vector<16xf32>,
    %add3A_47 = arith.addf %get3A_44, %get3A_46 : vector<16xf32>
    %neg3A = arith.constant 0.000000e+00 : f32
    %neg3A_48 = vector.broadcast %neg3A : f32 to vector<16xf32>
    %neg3A_49 = arith.subf %neg3A_48, %add3A_47 : vector<16xf32>
    %exp3A = math.exp %neg3A_49 : vector<16xf32>
    %add3A_50 = arith.constant 1.000000e+00 : f32
    %add3A_51 = vector.broadcast %add3A_50 : f32 to vector<16xf32>
    %add3A_52 = arith.addf %add3A_51, %exp3A : vector<16xf32>
    %div3A = arith.constant 1.000000e+00 : f32
    %div3A_53 = vector.broadcast %div3A : f32 to vector<16xf32>
    %div3A_54 = arith.divf %div3A_53, %add3A_52 : vector<16xf32>
    %swap3A_55 = arith.constant 0 : index
    %swap3A_56 = tpu.vector_load %arg13[%swap3A_55] {strides = array<i32>} : memref<128xf32, #tpu.memory_space<vmem>>, vector<16xf32>,
    tpu.vector_store %arg13[%swap3A_55], %div3A_54 {strides = array<i32>} : memref<128xf32, #tpu.memory_space<vmem>>, vector<16xf32>,
    %get3A_57 = arith.constant 16 : index
    %get3A_58 = tpu.vector_load %arg13[%get3A_57] {strides = array<i32>} : memref<128xf32, #tpu.memory_space<vmem>>, vector<16xf32>,
    %get3A_59 = arith.constant 0 : index
    %get3A_60 = tpu.vector_load %arg14[%get3A_59] {strides = array<i32>} : memref<16xf32, #tpu.memory_space<vmem>>, vector<16xf32>,
    %add3A_61 = arith.addf %get3A_58, %get3A_60 : vector<16xf32>
    %neg3A_62 = arith.constant 0.000000e+00 : f32
    %neg3A_63 = vector.broadcast %neg3A_62 : f32 to vector<16xf32>
    %neg3A_64 = arith.subf %neg3A_63, %add3A_61 : vector<16xf32>
    %exp3A_65 = math.exp %neg3A_64 : vector<16xf32>
    %add3A_66 = arith.constant 1.000000e+00 : f32
    %add3A_67 = vector.broadcast %add3A_66 : f32 to vector<16xf32>
    %add3A_68 = arith.addf %add3A_67, %exp3A_65 : vector<16xf32>
    %div3A_69 = arith.constant 1.000000e+00 : f32
    %div3A_70 = vector.broadcast %div3A_69 : f32 to vector<16xf32>
    %div3A_71 = arith.divf %div3A_70, %add3A_68 : vector<16xf32>
    %swap3A_72 = arith.constant 16 : index
    %swap3A_73 = tpu.vector_load %arg13[%swap3A_72] {strides = array<i32>} : memref<128xf32, #tpu.memory_space<vmem>>, vector<16xf32>,
    tpu.vector_store %arg13[%swap3A_72], %div3A_71 {strides = array<i32>} : memref<128xf32, #tpu.memory_space<vmem>>, vector<16xf32>,
    %get3A_74 = arith.constant 32 : index
    %get3A_75 = tpu.vector_load %arg13[%get3A_74] {strides = array<i32>} : memref<128xf32, #tpu.memory_space<vmem>>, vector<16xf32>,
    %get3A_76 = arith.constant 0 : index
    %get3A_77 = tpu.vector_load %arg14[%get3A_76] {strides = array<i32>} : memref<16xf32, #tpu.memory_space<vmem>>, vector<16xf32>,
    %add3A_78 = arith.addf %get3A_75, %get3A_77 : vector<16xf32>
    %neg3A_79 = arith.constant 0.000000e+00 : f32
    %neg3A_80 = vector.broadcast %neg3A_79 : f32 to vector<16xf32>
    %neg3A_81 = arith.subf %neg3A_80, %add3A_78 : vector<16xf32>
    %exp3A_82 = math.exp %neg3A_81 : vector<16xf32>
    %add3A_83 = arith.constant 1.000000e+00 : f32
    %add3A_84 = vector.broadcast %add3A_83 : f32 to vector<16xf32>
    %add3A_85 = arith.addf %add3A_84, %exp3A_82 : vector<16xf32>
    %div3A_86 = arith.constant 1.000000e+00 : f32
    %div3A_87 = vector.broadcast %div3A_86 : f32 to vector<16xf32>
    %div3A_88 = arith.divf %div3A_87, %add3A_85 : vector<16xf32>
    %swap3A_89 = arith.constant 32 : index
    %swap3A_90 = tpu.vector_load %arg13[%swap3A_89] {strides = array<i32>} : memref<128xf32, #tpu.memory_space<vmem>>, vector<16xf32>,
    tpu.vector_store %arg13[%swap3A_89], %div3A_88 {strides = array<i32>} : memref<128xf32, #tpu.memory_space<vmem>>, vector<16xf32>,
    %get3A_91 = arith.constant 48 : index
    %get3A_92 = tpu.vector_load %arg13[%get3A_91] {strides = array<i32>} : memref<128xf32, #tpu.memory_space<vmem>>, vector<16xf32>,
    %get3A_93 = arith.constant 0 : index
    %get3A_94 = tpu.vector_load %arg14[%get3A_93] {strides = array<i32>} : memref<16xf32, #tpu.memory_space<vmem>>, vector<16xf32>,
    %add3A_95 = arith.addf %get3A_92, %get3A_94 : vector<16xf32>
    %neg3A_96 = arith.constant 0.000000e+00 : f32
    %neg3A_97 = vector.broadcast %neg3A_96 : f32 to vector<16xf32>
    %neg3A_98 = arith.subf %neg3A_97, %add3A_95 : vector<16xf32>
    %exp3A_99 = math.exp %neg3A_98 : vector<16xf32>
    %add3A_100 = arith.constant 1.000000e+00 : f32
    %add3A_101 = vector.broadcast %add3A_100 : f32 to vector<16xf32>
    %add3A_102 = arith.addf %add3A_101, %exp3A_99 : vector<16xf32>
    %div3A_103 = arith.constant 1.000000e+00 : f32
    %div3A_104 = vector.broadcast %div3A_103 : f32 to vector<16xf32>
    %div3A_105 = arith.divf %div3A_104, %add3A_102 : vector<16xf32>
    %swap3A_106 = arith.constant 48 : index
    %swap3A_107 = tpu.vector_load %arg13[%swap3A_106] {strides = array<i32>} : memref<128xf32, #tpu.memory_space<vmem>>, vector<16xf32>,
    tpu.vector_store %arg13[%swap3A_106], %div3A_105 {strides = array<i32>} : memref<128xf32, #tpu.memory_space<vmem>>, vector<16xf32>,
    %get3A_108 = arith.constant 64 : index
    %get3A_109 = tpu.vector_load %arg13[%get3A_108] {strides = array<i32>} : memref<128xf32, #tpu.memory_space<vmem>>, vector<16xf32>,
    %get3A_110 = arith.constant 0 : index
    %get3A_111 = tpu.vector_load %arg14[%get3A_110] {strides = array<i32>} : memref<16xf32, #tpu.memory_space<vmem>>, vector<16xf32>,
    %add3A_112 = arith.addf %get3A_109, %get3A_111 : vector<16xf32>
    %neg3A_113 = arith.constant 0.000000e+00 : f32
    %neg3A_114 = vector.broadcast %neg3A_113 : f32 to vector<16xf32>
    %neg3A_115 = arith.subf %neg3A_114, %add3A_112 : vector<16xf32>
    %exp3A_116 = math.exp %neg3A_115 : vector<16xf32>
    %add3A_117 = arith.constant 1.000000e+00 : f32
    %add3A_118 = vector.broadcast %add3A_117 : f32 to vector<16xf32>
    %add3A_119 = arith.addf %add3A_118, %exp3A_116 : vector<16xf32>
    %div3A_120 = arith.constant 1.000000e+00 : f32
    %div3A_121 = vector.broadcast %div3A_120 : f32 to vector<16xf32>
    %div3A_122 = arith.divf %div3A_121, %add3A_119 : vector<16xf32>
    %swap3A_123 = arith.constant 64 : index
    %swap3A_124 = tpu.vector_load %arg13[%swap3A_123] {strides = array<i32>} : memref<128xf32, #tpu.memory_space<vmem>>, vector<16xf32>,
    tpu.vector_store %arg13[%swap3A_123], %div3A_122 {strides = array<i32>} : memref<128xf32, #tpu.memory_space<vmem>>, vector<16xf32>,
    %get3A_125 = arith.constant 80 : index
    %get3A_126 = tpu.vector_load %arg13[%get3A_125] {strides = array<i32>} : memref<128xf32, #tpu.memory_space<vmem>>, vector<16xf32>,
    %get3A_127 = arith.constant 0 : index
    %get3A_128 = tpu.vector_load %arg14[%get3A_127] {strides = array<i32>} : memref<16xf32, #tpu.memory_space<vmem>>, vector<16xf32>,
    %add3A_129 = arith.addf %get3A_126, %get3A_128 : vector<16xf32>
    %neg3A_130 = arith.constant 0.000000e+00 : f32
    %neg3A_131 = vector.broadcast %neg3A_130 : f32 to vector<16xf32>
    %neg3A_132 = arith.subf %neg3A_131, %add3A_129 : vector<16xf32>
    %exp3A_133 = math.exp %neg3A_132 : vector<16xf32>
    %add3A_134 = arith.constant 1.000000e+00 : f32
    %add3A_135 = vector.broadcast %add3A_134 : f32 to vector<16xf32>
    %add3A_136 = arith.addf %add3A_135, %exp3A_133 : vector<16xf32>
    %div3A_137 = arith.constant 1.000000e+00 : f32
    %div3A_138 = vector.broadcast %div3A_137 : f32 to vector<16xf32>
    %div3A_139 = arith.divf %div3A_138, %add3A_136 : vector<16xf32>
    %swap3A_140 = arith.constant 80 : index
    %swap3A_141 = tpu.vector_load %arg13[%swap3A_140] {strides = array<i32>} : memref<128xf32, #tpu.memory_space<vmem>>, vector<16xf32>,
    tpu.vector_store %arg13[%swap3A_140], %div3A_139 {strides = array<i32>} : memref<128xf32, #tpu.memory_space<vmem>>, vector<16xf32>,
    %get3A_142 = arith.constant 96 : index
    %get3A_143 = tpu.vector_load %arg13[%get3A_142] {strides = array<i32>} : memref<128xf32, #tpu.memory_space<vmem>>, vector<16xf32>,
    %get3A_144 = arith.constant 0 : index
    %get3A_145 = tpu.vector_load %arg14[%get3A_144] {strides = array<i32>} : memref<16xf32, #tpu.memory_space<vmem>>, vector<16xf32>,
    %add3A_146 = arith.addf %get3A_143, %get3A_145 : vector<16xf32>
    %neg3A_147 = arith.constant 0.000000e+00 : f32
    %neg3A_148 = vector.broadcast %neg3A_147 : f32 to vector<16xf32>
    %neg3A_149 = arith.subf %neg3A_148, %add3A_146 : vector<16xf32>
    %exp3A_150 = math.exp %neg3A_149 : vector<16xf32>
    %add3A_151 = arith.constant 1.000000e+00 : f32
    %add3A_152 = vector.broadcast %add3A_151 : f32 to vector<16xf32>
    %add3A_153 = arith.addf %add3A_152, %exp3A_150 : vector<16xf32>
    %div3A_154 = arith.constant 1.000000e+00 : f32
    %div3A_155 = vector.broadcast %div3A_154 : f32 to vector<16xf32>
    %div3A_156 = arith.divf %div3A_155, %add3A_153 : vector<16xf32>
    %swap3A_157 = arith.constant 96 : index
    %swap3A_158 = tpu.vector_load %arg13[%swap3A_157] {strides = array<i32>} : memref<128xf32, #tpu.memory_space<vmem>>, vector<16xf32>,
    tpu.vector_store %arg13[%swap3A_157], %div3A_156 {strides = array<i32>} : memref<128xf32, #tpu.memory_space<vmem>>, vector<16xf32>,
    %get3A_159 = arith.constant 112 : index
    %get3A_160 = tpu.vector_load %arg13[%get3A_159] {strides = array<i32>} : memref<128xf32, #tpu.memory_space<vmem>>, vector<16xf32>,
    %get3A_161 = arith.constant 0 : index
    %get3A_162 = tpu.vector_load %arg14[%get3A_161] {strides = array<i32>} : memref<16xf32, #tpu.memory_space<vmem>>, vector<16xf32>,
    %add3A_163 = arith.addf %get3A_160, %get3A_162 : vector<16xf32>
    %neg3A_164 = arith.constant 0.000000e+00 : f32
    %neg3A_165 = vector.broadcast %neg3A_164 : f32 to vector<16xf32>
    %neg3A_166 = arith.subf %neg3A_165, %add3A_163 : vector<16xf32>
    %exp3A_167 = math.exp %neg3A_166 : vector<16xf32>
    %add3A_168 = arith.constant 1.000000e+00 : f32
    %add3A_169 = vector.broadcast %add3A_168 : f32 to vector<16xf32>
    %add3A_170 = arith.addf %add3A_169, %exp3A_167 : vector<16xf32>
    %div3A_171 = arith.constant 1.000000e+00 : f32
    %div3A_172 = vector.broadcast %div3A_171 : f32 to vector<16xf32>
    %div3A_173 = arith.divf %div3A_172, %add3A_170 : vector<16xf32>
    %swap3A_174 = arith.constant 112 : index
    %swap3A_175 = tpu.vector_load %arg13[%swap3A_174] {strides = array<i32>} : memref<128xf32, #tpu.memory_space<vmem>>, vector<16xf32>,
    tpu.vector_store %arg13[%swap3A_174], %div3A_173 {strides = array<i32>} : memref<128xf32, #tpu.memory_space<vmem>>, vector<16xf32>,
    "tpu.region"() ({
      %run_scoped3A = tpu.sem_alloc : memref<!tpu.dma_semaphore, #tpu.memory_space<semaphore_mem>>
      %dma_start3A_176 = tpu.memref_slice %arg6[%mul3A_2] : memref<4096xf32, #tpu.memory_space<hbm>> -> memref<128xf32, #tpu.memory_space<hbm>>
      %dma_start3A_177 = tpu.memref_slice %arg6[%mul3A_2] : memref<4096xf32, #tpu.memory_space<hbm>> -> memref<128xf32, #tpu.memory_space<hbm>>
      tpu.enqueue_dma source(%arg13 : memref<128xf32, #tpu.memory_space<vmem>>) target(%dma_start3A_177 : memref<128xf32, #tpu.memory_space<hbm>>) target_semaphore(%run_scoped3A : memref<!tpu.dma_semaphore, #tpu.memory_space<semaphore_mem>>)
      %dma_wait3A = tpu.memref_slice %arg6[%mul3A_2] : memref<4096xf32, #tpu.memory_space<hbm>> -> memref<128xf32, #tpu.memory_space<hbm>>
      %dma_wait3A_178 = tpu.memref_slice %arg6[%mul3A_2] : memref<4096xf32, #tpu.memory_space<hbm>> -> memref<128xf32, #tpu.memory_space<hbm>>
      tpu.wait_dma2 semaphore(%run_scoped3A : memref<!tpu.dma_semaphore, #tpu.memory_space<semaphore_mem>>) src(%arg13 : memref<128xf32, #tpu.memory_space<vmem>>) dst(%dma_wait3A_178 : memref<128xf32, #tpu.memory_space<hbm>>)
      tpu.yield
    }) : () -> ()
    return
  }
}

</mosaic_0001>

<sc_bundles>
// kernel: _run.3.cloned.1.call-start
scs
__scs_entry_jumppad:
0x0: {  	(pc) =	sbr.rel $0x88, $3  }
0x1: {  	(tag) =	ssettag $0x0;
	lr =	simm.s32 $0x1  }
0x2: {  	[smem:$0x3F9D] =	sst lr;
	_ =	strace $0xD0000000  }
0x3: {  	_ = 	snop  }
0x4: {  	_ = 	snop  }
0x5: {  	_ = 	snop  }
0x6: {  	_ = 	snop  }
0x7: {  	_ = 	snop  }
__scs_overlays_trampoline_lowered:
0x8: {  	[smem:$0x3FAC] =	sst s0  }
0x9: {  	[smem:$0x3FAD] =	sst s1  }
0xa: {  	[smem:$0x3FAE] =	sst s2  }
0xb: {  	[smem:$0x3FAF] =	sst s3  }
0xc: {  	[smem:$0x3FB0] =	sst s4  }
0xd: {  	[smem:$0x3FB1] =	sst s5  }
0xe: {  	[smem:$0x3FB2] =	sst s6  }
0xf: {  	[smem:$0x3FB3] =	sst s7  }
0x10: {  	[smem:$0x3FB4] =	sst s8  }
0x11: {  	[smem:$0x3FB5] =	sst s9;
	s0 =	simm.s32 @!p0 $0x0  }
0x12: {  	s1 =	sld [smem:$0x3F9B];
	s0 =	simm.s32 @p0 $0x1  }
0x13: {  	[smem:$0x3FB6] =	sst s0;
	s0 =	simm.s32 @!p1 $0x0  }
0x14: {  	s2 =	sld [smem:$0x3F9A];
	s0 =	simm.s32 @p1 $0x1  }
0x15: {  	[smem:$0x3FB7] =	sst s0;
	s0 =	simm.s32 @!p2 $0x0  }
0x16: {  	s3 =	sld [smem:$0x3FDB];
	s0 =	simm.s32 @p2 $0x1  }
0x17: {  	s4 =	simm.s32 $0x1BF5;
	[smem:$0x3FB9] =	sst s0  }
0x18: {  	s0 =	sld [smem:$0x3F9C];
	_ =	swait.ge [sflag:s4], $0x0  }
0x19: {  	s7 =	sld [smem:$0x3F9D]  }
0x1a: {  	s8 =	sadd.s32 $0xFFFFE003, lr  }
0x1b: {  	s9 =	sadd.s32 $0xFFFFFEF7, lr;
	s5 =	simm.s32 $0xFFFFFFFF;
	p2 =	slt.u32 s8, $0xFFFFF086  }
0x1c: {  	p1 =	slt.u32 s9, $0xF7A;
	s5 =	simm.s32 @!p2 $0x0  }
0x1d: {  	s5 =	simm.s32 @p1 $0x1;
	p0 =	seq.s32 s7, s2  }
0x1e: {  	s7 =	smul.u32 @!p0 $0xF7A, s2;
	p2 =	seq.s32 @!p0 s5, $0x0  }
0x1f: {  	s9 =	smul.u32 $0xF7A, s1;
	s8 =	simm.s32 @!p0 $0x1BF5;
	p2 =	por !p2, p0  }
0x20: {  	[sflag:s8] =	ssyncset.s32 @!p0 $0xFFFFF086;
	s6 =	sadd.s32 @!p0 s3, s7;
	s7 =	simm.s32 @!p0 $0x108  }
0x21: {  	s3 =	sadd.s32 s3, s9;
	s6 =	sadd.s32 @!p0 $0x88, s6;
	s7 =	simm.s32 @p2 $0x1082  }
0x22: {  	[simem:s7], [sflag:s8] =	dma.local @!p0 [hbm:s6], $0xF7A  }
0x23: {  	s9 =	sor.u32 $0xD0000000, s2;
	s6 =	simm.s32 $0x108;
	_ =	swait.ge @!p0 [sflag:s8], $0x0  }
0x24: {  	s3 =	sadd.s32 $0x88, s3;
	s6 =	simm.s32 @!p1 $0x1082;
	[sflag:s4] =	ssyncset.s32 $0xFFFFF086  }
0x25: {  	[simem:s6], [sflag:s4] =	dma.local [hbm:s3], $0xF7A  }
0x26: {  	[smem:$0x3F9D] =	sst s1;
	(tag) =	ssettag s2;
	_ =	strace s9  }
0x27: {  	s1 =	sld [smem:$0x3FAD]  }
0x28: {  	s2 =	sld [smem:$0x3FAE]  }
0x29: {  	s4 =	sld [smem:$0x3FB0]  }
0x2a: {  	p0 =	seq.s32 s5, $0x0;
	s5 =	sld [smem:$0x3FB1]  }
0x2b: {  	s6 =	sld [smem:$0x3FB2]  }
0x2c: {  	s7 =	sld [smem:$0x3FB3]  }
0x2d: {  	s3 =	simm.s32 $0x108;
	s8 =	sld [smem:$0x3FB4]  }
0x2e: {  	s3 =	simm.s32 @!p0 $0x1082;
	s9 =	sld [smem:$0x3FB5]  }
0x2f: {  	lr =	sadd.s32 s0, s3;
	s0 =	sld [smem:$0x3FAC]  }
0x30: {  	s3 =	sld [smem:$0x3FAF]  }
0x31: {  	[smem:$0x3FB8] =	sst s10  }
0x32: {  	s10 =	sld [smem:$0x3FB6];
	_ =	sdelay $0x3  }
0x33: {  	p0 =	seq.s32 s10, $0x1;
	s10 =	sld [smem:$0x3FB8];
	_ =	sdelay $0x3  }
0x34: {  	[smem:$0x3FB8] =	sst s10  }
0x35: {  	s10 =	sld [smem:$0x3FB7];
	_ =	sdelay $0x3  }
0x36: {  	p1 =	seq.s32 s10, $0x1;
	s10 =	sld [smem:$0x3FB8];
	_ =	sdelay $0x3  }
0x37: {  	[smem:$0x3FB8] =	sst s10  }
0x38: {  	s10 =	sld [smem:$0x3FB9]  }
0x39: {  	_ = 	snop;
	(pc) =	sbr.ind lr, $3  }
0x3a: {  	_ = 	snop  }
0x3b: {  	_ = 	snop  }
0x3c: {  	p2 =	seq.s32 s10, $0x1;
	s10 =	sld [smem:$0x3FB8]  }
0x3d: {  	_ =	shalt  }
0x3e: {  	_ =	shalt  }
0x3f: {  	_ =	shalt  }
0x40: {  	_ =	shalt  }
0x41: {  	_ =	shalt  }
0x42: {  	_ =	shalt  }
0x43: {  	_ =	shalt  }
0x44: {  	_ =	shalt  }
0x45: {  	_ =	shalt  }
0x46: {  	_ =	shalt  }
0x47: {  	_ =	shalt  }
0x48: {  	_ =	shalt  }
0x49: {  	_ =	shalt  }
0x4a: {  	_ =	shalt  }
0x4b: {  	_ =	shalt  }
0x4c: {  	_ =	shalt  }
0x4d: {  	_ =	shalt  }
0x4e: {  	_ =	shalt  }
0x4f: {  	_ =	shalt  }
0x50: {  	_ =	shalt  }
0x51: {  	_ =	shalt  }
0x52: {  	_ =	shalt  }
0x53: {  	_ =	shalt  }
0x54: {  	_ =	shalt  }
0x55: {  	_ =	shalt  }
0x56: {  	_ =	shalt  }
0x57: {  	_ =	shalt  }
0x58: {  	_ =	shalt  }
0x59: {  	_ =	shalt  }
0x5a: {  	_ =	shalt  }
0x5b: {  	_ =	shalt  }
0x5c: {  	_ =	shalt  }
0x5d: {  	_ =	shalt  }
0x5e: {  	_ =	shalt  }
0x5f: {  	_ =	shalt  }
0x60: {  	_ =	shalt  }
0x61: {  	_ =	shalt  }
0x62: {  	_ =	shalt  }
0x63: {  	_ =	shalt  }
0x64: {  	_ =	shalt  }
0x65: {  	_ =	shalt  }
0x66: {  	_ =	shalt  }
0x67: {  	_ =	shalt  }
0x68: {  	_ =	shalt  }
0x69: {  	_ =	shalt  }
0x6a: {  	_ =	shalt  }
0x6b: {  	_ =	shalt  }
0x6c: {  	_ =	shalt  }
0x6d: {  	_ =	shalt  }
0x6e: {  	_ =	shalt  }
0x6f: {  	_ =	shalt  }
0x70: {  	_ =	shalt  }
0x71: {  	_ =	shalt  }
0x72: {  	_ =	shalt  }
0x73: {  	_ =	shalt  }
0x74: {  	_ =	shalt  }
0x75: {  	_ =	shalt  }
0x76: {  	_ =	shalt  }
0x77: {  	_ =	shalt  }
0x78: {  	_ =	shalt  }
0x79: {  	_ =	shalt  }
0x7a: {  	_ =	shalt  }
0x7b: {  	_ =	shalt  }
0x7c: {  	_ =	shalt  }
0x7d: {  	_ =	shalt  }
0x7e: {  	_ =	shalt  }
0x7f: {  	_ =	shalt  }
0x80: {  	_ =	shalt  }
0x81: {  	_ =	shalt  }
0x82: {  	_ =	shalt  }
0x83: {  	_ =	shalt  }
0x84: {  	_ =	shalt  }
0x85: {  	_ =	shalt  }
0x86: {  	_ =	shalt  }
0x87: {  	_ =	shalt  }
.Lfunc_end0:
.L_simem_size_0:
called_computation_lowered:
.L_overlay_start_0:
0x88: {  	s2 =	sld [smem:$0x3FD9]  }
0x89: {  	s3 =	sld [smem:$0x3FFE];
	_ =	sdelay $0x1  }
0x8a: {  	s1 =	srdreg.scid  }
0x8b: {  	s0 =	sand.u32 $0x1, s1  }
0x8c: {  	s17 =	sshll.u32 s0, $0xA;
	s2 =	sadd.s32 s3, s2  }
0x8d: {  	s2 =	sadd.s32 s2, s17  }
0x8e: {  	[smem:$0x3FC4] =	sst s2  }
0x8f: {  	_ = 	snop  }
0x90: {  	s2 =	sld [smem:$0x3FC8]  }
0x91: {  	s18 =	sld [smem:$0x3FC6]  }
0x92: {  	s4 =	sld [smem:$0x3FD0];
	(tm) =	ssettm $0x1  }
0x93: {  	s5 =	sld [smem:$0x3FFB];
	_ =	sdelay $0x3  }
0x94: {  	_ =	strace s5  }
0x95: {  	s5 =	sld [smem:$0x3FFC];
	_ =	sdelay $0x3  }
0x96: {  	_ =	strace s5  }
0x97: {  	s5 =	sld [smem:$0x3FFD];
	_ =	sdelay $0x3  }
0x98: {  	_ =	strace s5  }
0x99: {  	_ =	strace $0x8FFFFFFF  }
0x9a: {  	s19 =	sld [smem:$0x3FDB];
	_ =	sdelay $0x1  }
0x9b: {  	s6 =	simm.s32 $_scs_section_size  }
0x9c: {  	s7 =	simm.s32 $_size__tile_overlayer_lowered;
	s8 =	simm.s32 $_tile_overlayer_lowered  }
0x9d: {  	s22 =	simm.s32 $0x1BFF;
	s21 =	sshll.u32 s8, $0x1;
	s5 =	sadd.s32 s6, s19  }
0x9e: {  	s9 =	simm.s32 $0x0;
	s20 =	sshll.u32 s7, $0x1;
	s7 =	sadd.s32 s21, s5  }
0x9f: {  	[timem:s9], [sflag:s22] =	dma.local [hbm:s7], s20  }
0xa0: {  	_ =	swait.ge [sflag:s22], s20  }
0xa1: {  	s6 =	ssub.s32 $0x0, s20;
	[sflag:s22] =	ssyncset.done $0x0  }
0xa2: {  	[sflag:s22] =	ssyncadd.s32 s6;
	_ =	sdelay $0x1  }
0xa3: {  	s23 =	simm.s32 $0x1B8B  }
0xa4: {  	_ =	swait.ge [sflag:s23], $0x1  }
0xa5: {  	[sflag:s23] =	ssyncset.done $0x0  }
0xa6: {  	s25 =	simm.s32 $0x1B8E;
	s24 =	sld [smem:$0x3FFE];
	[sflag:s23] =	ssyncadd.s32 $0xFFFFFFFF  }
0xa7: {  	s26 =	simm.s32 $execute0_lowered;
	[smem:$0x3FD2] =	sst s25  }
0xa8: {  	s7 =	sshll.u32 s26, $0x1;
	_ =	strace $0x80000046;
	[dreg:$0x1] =	wrdreg $0xFFFFFFFF  }
0xa9: {  	s28 =	simm.s32 $_size_execute0_lowered;
	s5 =	sadd.s32 s5, s7;
	[dreg:$0x0] =	wrdreg $0x0  }
0xaa: {  	s7 =	sshll.u32 s28, $0x1;
	[dreg:$0x2] =	wrdreg s5  }
0xab: {  	[dreg:$0x3] =	wrdreg s7  }
0xac: {  	[dreg:$0x4] =	wrdreg $0xC0  }
0xad: {  	_ =	task [dreg:s9], $0x5FFFF  }
0xae: {  	[dreg:$0x1] =	wrdreg $0xFFFFFFFF  }
0xaf: {  	[dreg:$0x0] =	wrdreg $0x60  }
0xb0: {  	[dreg:$0x2] =	wrdreg s24  }
0xb1: {  	[dreg:$0x3] =	wrdreg s2  }
0xb2: {  	[dreg:$0x4] =	wrdreg s18  }
0xb3: {  	[dreg:$0x5] =	wrdreg s4  }
0xb4: {  	[dreg:$0x6] =	wrdreg $0x9  }
0xb5: {  	_ =	task.clear_ibuf [dreg:s9], $0x7FFFF;
	_ =	strace $0x90000046  }
0xb6: {  	s29 =	simm.s32 $0x9;
	_ =	strace $0x80000048  }
0xb7: {  	_ =	swait.ge [sflag:s29], $0x1  }
0xb8: {  	[sflag:s29] =	ssyncadd.s32 $0xFFFFFFFF  }
0xb9: {  	_ =	strace $0x90000048  }
0xba: {  	_ =	sfence  }
0xbb: {  	s30 =	sld [smem:$0x0];
	_ =	sdelay $0x2  }
0xbc: {  	s31 =	sshll.u32 s1, $0xD;
	s1 =	sshrl.u32 s1, $0x2  }
0xbd: {  	s3 =	sand.u32 $0x4000, s31;
	s1 =	sadd.s32 s1, s30  }
0xbe: {  	s0 =	sor.u32 s3, s0;
	s1 =	sshll.u32 s1, $0x11  }
0xbf: {  	s0 =	sor.u32 s1, s0  }
0xc0: {  	s0 =	sadd.s32 $0x8F2B, s0  }
0xc1: {  	[sflag:s0] =	ssyncadd.remote.s32 $0x1  }
0xc2: {  	_ =	sfence.sel $0xFFFF  }
0xc3: {  	[dreg:$0x0] =	wrdreg $0xFFFFFFFF;
	(pc) =	sbr.abs _section_cstart, $3  }
0xc4: {  	[dreg:$0x1] =	wrdreg $0xFFFFFFFF  }
0xc5: {  	_ =	task.clear_ibuf [dreg:s9], $0x2FFFF;
	_ =	strace $0x9FFFFFFF  }
0xc6: {  	(tm) =	ssettm $0x7FFFFFFF  }
0xc7: {  	_ =	shalt  }
tec
execute0_lowered:
.L_overlay_start_1:
0x0: {  	(tag) =	ssettag $0x1  }
0x1: {  	v0 =	vimm.s32 $0xDCBA9876;
	v1 =	vimm.s32 $0x54321000;
	s6 =	rddreg [dreg:$0x0]  }
0x2: {  	s0 =	rddreg [dreg:$0x1];
	v2 =	vimm.s32 $0xEFCDAB89;
	v3 =	vimm.s32 $0x67452301;
	v0 =	vunpack.c.l.s4.s8 v0  }
0x3: {  	s1 =	rddreg [dreg:$0x2];
	v1 =	vunpack.c.l.s4.s8 v1;
	v2 =	vunpack.c.l.s4.s8 v2;
	v3 =	vunpack.c.l.s4.s8 v3  }
0x4: {  	s7 =	rddreg [dreg:$0x3];
	v4 =	vimm.s32 $0xDCFE98BA;
	v6 =	vimm.s32 $0x32107654;
	v0 =	vunpack.c.0.s8.s32 v0  }
0x5: {  	s2 =	rddreg [dreg:$0x4];
	s5 =	srdreg.scid;
	v1 =	vunpack.c.0.s8.s32 v1;
	v2 =	vunpack.c.0.s8.s32 v2;
	v3 =	vunpack.c.0.s8.s32 v3  }
0x6: {  	s4 =	simm.s32 $0x0;
	s3 =	stileid.u32;
	v7 =	vimm.s32 $0xFEDCBA98;
	s12 =	simm.s32 $0x1E;
	v4 =	vunpack.c.l.s4.s8 v4;
	v0 =	vand.u32 $0xF, v0  }
0x7: {  	v8 =	vimm.s32 $0x76543210;
	s13 =	simm.s32 $0x13C00;
	s14 =	simm.s32 $0x13C40;
	s15 =	simm.s32 $0x13C20;
	v0 =	vcombine.low v1, v0;
	v1 =	vcombine.low v3, v2  }
0x8: {  	s16 =	simm.s32 $0x17480;
	s17 =	simm.s32 $0x1;
	s18 =	simm.s32 $0x2;
	v2 =	vunpack.c.0.s8.s32 v4;
	v3 =	vimm.s32 $0x54761032;
	v4 =	vimm.s32 $0xBA98FEDC  }
0x9: {  	s19 =	simm.s32 $0x1ACC0;
	s20 =	simm.s32 $0x0;
	s5 =	sand.u32 $0x1, s5;
	v6 =	vunpack.c.l.s4.s8 v6;
	v3 =	vunpack.c.l.s4.s8 v3;
	v4 =	vunpack.c.l.s4.s8 v4  }
0xa: {  	v5 =	vimm.s32 $0xF0E;
	[smem:$0x7FF] =	sst s4;
	s8 =	sshll.u32 s3, $0x8;
	v7 =	vunpack.c.l.s4.s8 v7;
	v8 =	vunpack.c.l.s4.s8 v8;
	s9 =	sshll.u32 s5, $0x7  }
0xb: {  	_ =	strace $0x80000047;
	s31 =	ssub.s32 $0x2, s5;
	s8 =	sor.u32 s9, s8;
	v6 =	vunpack.c.0.s8.s32 v6;
	v3 =	vunpack.c.0.s8.s32 v3;
	v4 =	vunpack.c.0.s8.s32 v4  }
0xc: {  	vm0 =	vcmask $0xF00;
	v5 =	vunpack.c.0.s8.s32 v5;
	s5 =	sadd.s32 $0x4B0600, s6;
	s11 =	sshrl.u32 s31, $0x1;
	v7 =	vunpack.c.0.s8.s32 v7;
	s10 =	sshll.u32 s8, $0x2  }
0xd: {  	s9 =	ssub.s32 s31, s11;
	s8 =	sshrl.u32 s8, $0x3;
	s11 =	simm.s32 $0x1000;
	v2 =	vcombine.low v3, v2;
	v3 =	vcombine.low v6, v4;
	v6 =	vunpack.c.0.s8.s32 v8  }
0xe: {  	vm1 =	vmmov $0x3fff;
	s6 =	sadd.s32 s10, s6;
	s7 =	sadd.s32 s7, s8;
	s8 =	smax.u32 s9, $0x1;
	v4 =	vnsel vm0, $0x0, v5;
	v5 =	vand.u32 $0xF, v7  }
0xf: {  	s9 =	simm.s32 $0x3;
	s10 =	simm.s32 $0x1AD40;
	s6 =	sadd.s32 $0x600, s6;
	vm0 =	vmmov $0x3;
	v5 =	vcombine.low v5, v6;
	v6 =	vlaneseq.u32  }
.LBB2_1:
0x10: {  	[tilespmem:s4], [sflag:$0x3] =	stream.linear.gather [hbm4b:s6+s4], $0x1000, $0x38;
	[tilespmem:$0x1AD50] =	vst v63  }
0x11: {  	_ =	swait.ge [sflag:s9], $0x1000  }
0x12: {  	[sflag:s9] =	ssyncset.done $0x0  }
0x13: {  	[sflag:s9] =	ssyncadd.s32 $0xFFFFF000  }
0x14: {  	[tilespmem:s10], [sflag:$0x3] =	stream.linear.gather [hbm4b:s1+s4], $0x10, $0x38;
	[tilespmem:$0x1AD50] =	vst v63  }
0x15: {  	_ =	swait.ge [sflag:s9], $0x10  }
0x16: {  	[sflag:s9] =	ssyncset.done $0x0  }
0x17: {  	[sflag:s9] =	ssyncadd.s32 $0xFFFFFFF0  }
0x18: {  	[tilespmem:s11], [sflag:$0x3] =	stream.linear.gather [hbm4b:s0+s4], $0x12C00, $0x38;
	[tilespmem:$0x1AD50] =	vst v63  }
0x19: {  	_ =	swait.ge [sflag:s9], $0x12C00  }
0x1a: {  	[sflag:s9] =	ssyncset.done $0x0  }
0x1b: {  	[sflag:s9] =	ssyncadd.s32 $0xFFFED400  }
0x1c: {  	v7 =	vld [tilespmem:$0x0]  }
0x1d: {  	v8 =	vld [tilespmem:$0x10];
	_ =	sdelay $0x4  }
0x1e: {  	v9 =	vperm.xlane v7, v4;
	v8 =	vperm.xlane v8, v0;
	_ =	sdelay $0x1  }
0x1f: {  	[tilespmem:$0x13C00] =	vst v7;
	v7 =	vsel vm0, v9, v8  }
0x20: {  	s21 =	simm.s32 $0x0;
	[tilespmem:$0x13C0E] =	vst v7  }
0x21: {  	v8 =	vimm.f32 $0.0e+00;
	v7 =	vimm.f32 $0.0e+00;
	[tilespmem:s14], [sflag:$0x1] =	stream.indirect.gather [hbm4b:s5+s12], $0x1E0, s13, s12, $0xb8;
	[tilespmem:$0x1AD50] =	vst v63  }
.LBB2_2:
0x22: {  	s22 =	sshllo.u32 s21, $0x1  }
0x23: {  	s23 =	sshll.u32 s22, $0x5  }
0x24: {  	s23 =	sand.u32 $0x3FFFFFE0, s23  }
0x25: {  	v9 =	vld [tilespmem:s23+$0x0]  }
0x26: {  	v10 =	vld [tilespmem:s23+$0x10];
	_ =	sdelay $0x4  }
0x27: {  	v11 =	vperm.xlane v9, v4;
	v10 =	vperm.xlane v10, v0;
	_ =	sdelay $0x1  }
0x28: {  	[tilespmem:$0x13C20] =	vst v9;
	v9 =	vsel vm0, v11, v10  }
0x29: {  	[tilespmem:$0x13C2E] =	vst v9  }
0x2a: {  	[tilespmem:s16], [sflag:$0x2] =	stream.indirect.gather [hbm4b:s5+s12], $0x1E0, s15, s12, $0xb8;
	[tilespmem:$0x1AD50] =	vst v63  }
0x2b: {  	_ =	swait.ge [sflag:s17], $0x3840  }
0x2c: {  	s24 =	sshll.u32 s21, $0x8;
	[sflag:s17] =	ssyncset.done $0x0  }
0x2d: {  	s25 =	sshra.s32 s24, $0x2;
	[sflag:s17] =	ssyncadd.s32 $0xFFFFC7C0  }
0x2e: {  	v9 =	vld [tilespmem:s25+$0x0]  }
0x2f: {  	s26 =	simm.s32 $0x13D30;
	v10 =	vld [tilespmem:s25+$0x10]  }
0x30: {  	s28 =	simm.s32 $0x1A40;
	v11 =	vld [tilespmem:s26+$0xFFFFFF10]  }
0x31: {  	v12 =	vld [tilespmem:s28+$0x12200]  }
0x32: {  	v13 =	vld [tilespmem:s26+$0xFFFFFF20]  }
0x33: {  	v14 =	vld [tilespmem:s28+$0x123E0]  }
0x34: {  	v15 =	vld [tilespmem:s26+$0xFFFFFF30]  }
0x35: {  	v16 =	vld [tilespmem:s28+$0x125C0]  }
0x36: {  	v17 =	vld [tilespmem:s28+$0x127A0]  }
0x37: {  	v18 =	vld [tilespmem:s28+$0x12980]  }
0x38: {  	v19 =	vld [tilespmem:s28+$0x154A0];
	v11 =	vmul.f32 v11, v12  }
0x39: {  	v12 =	vld [tilespmem:s26+$0xFFFFFF40]  }
0x3a: {  	v13 =	vmul.f32 v13, v14;
	v14 =	vld [tilespmem:s26+$0xFFFFFF50];
	v11 =	vadd.f32 v11, v7  }
0x3b: {  	v9 =	vld.idx.msk [tilespmem:v9+s11+$0x0], $0xffff  }
0x3c: {  	v11 =	vadd.f32 v13, v11;
	v13 =	vmul.f32 v15, v16;
	v15 =	vld [tilespmem:s26+$0xFFFFFF60]  }
0x3d: {  	v16 =	vld [tilespmem:s28+$0x12B60]  }
0x3e: {  	v12 =	vmul.f32 v12, v17;
	v17 =	vld [tilespmem:s28+$0x12D40];
	v11 =	vadd.f32 v13, v11  }
0x3f: {  	v13 =	vld [tilespmem:s26+$0xFFFFFF70]  }
0x40: {  	v11 =	vadd.f32 v12, v11;
	v12 =	vmul.f32 v14, v18;
	v14 =	vld [tilespmem:s26+$0xFFFFFF80]  }
0x41: {  	v18 =	vld [tilespmem:s28+$0x12F20]  }
0x42: {  	v11 =	vadd.f32 v12, v11;
	v12 =	vmul.f32 v15, v16;
	v15 =	vld [tilespmem:s26+$0xFFFFFF90]  }
0x43: {  	v16 =	vld [tilespmem:s28+$0x13100]  }
0x44: {  	v11 =	vadd.f32 v12, v11;
	v12 =	vmul.f32 v13, v17;
	v13 =	vld [tilespmem:s26+$0xFFFFFFA0]  }
0x45: {  	v17 =	vld [tilespmem:s28+$0x132E0]  }
0x46: {  	v11 =	vadd.f32 v12, v11;
	v12 =	vmul.f32 v14, v18;
	v14 =	vld [tilespmem:s26+$0xFFFFFFB0]  }
0x47: {  	v18 =	vld [tilespmem:s28+$0x134C0]  }
0x48: {  	v11 =	vadd.f32 v12, v11;
	v12 =	vmul.f32 v15, v16;
	v15 =	vld [tilespmem:s26+$0xFFFFFFC0]  }
0x49: {  	v16 =	vld [tilespmem:s28+$0x136A0]  }
0x4a: {  	v11 =	vadd.f32 v12, v11;
	v12 =	vmul.f32 v13, v17;
	v13 =	vld [tilespmem:s26+$0xFFFFFFD0]  }
0x4b: {  	v17 =	vld [tilespmem:s28+$0x13880]  }
0x4c: {  	v11 =	vadd.f32 v12, v11;
	v12 =	vmul.f32 v14, v18;
	v14 =	vld [tilespmem:s26+$0xFFFFFFE0]  }
0x4d: {  	v18 =	vld [tilespmem:s28+$0x13A60]  }
0x4e: {  	v11 =	vadd.f32 v12, v11;
	v12 =	vmul.f32 v15, v16;
	v15 =	vld [tilespmem:s26+$0xFFFFFFF0]  }
0x4f: {  	v16 =	vld [tilespmem:s28+$0x13C40]  }
0x50: {  	v11 =	vadd.f32 v12, v11;
	v12 =	vmul.f32 v13, v17;
	v13 =	vld [tilespmem:s26+$0x0]  }
0x51: {  	v17 =	vld [tilespmem:s28+$0x13E20]  }
0x52: {  	v11 =	vadd.f32 v12, v11;
	v12 =	vmul.f32 v14, v18;
	v14 =	vld [tilespmem:s26+$0x10]  }
0x53: {  	v18 =	vld [tilespmem:s28+$0x14000]  }
0x54: {  	v11 =	vadd.f32 v12, v11;
	v12 =	vmul.f32 v15, v16;
	v15 =	vld [tilespmem:s26+$0x20]  }
0x55: {  	v16 =	vld [tilespmem:s28+$0x141E0]  }
0x56: {  	v11 =	vadd.f32 v12, v11;
	v12 =	vmul.f32 v13, v17;
	v13 =	vld [tilespmem:s26+$0x30]  }
0x57: {  	v17 =	vld [tilespmem:s28+$0x143C0]  }
0x58: {  	v11 =	vadd.f32 v12, v11;
	v12 =	vmul.f32 v14, v18;
	v14 =	vld [tilespmem:s26+$0x40]  }
0x59: {  	v18 =	vld [tilespmem:s28+$0x145A0]  }
0x5a: {  	v11 =	vadd.f32 v12, v11;
	v12 =	vmul.f32 v15, v16;
	v15 =	vld [tilespmem:s26+$0x50]  }
0x5b: {  	v16 =	vld [tilespmem:s28+$0x14780]  }
0x5c: {  	v11 =	vadd.f32 v12, v11;
	v12 =	vmul.f32 v13, v17;
	v13 =	vld [tilespmem:s26+$0x60]  }
0x5d: {  	v17 =	vld [tilespmem:s28+$0x14960]  }
0x5e: {  	v11 =	vadd.f32 v12, v11;
	v12 =	vmul.f32 v14, v18;
	v14 =	vld [tilespmem:s26+$0x70]  }
0x5f: {  	v18 =	vld [tilespmem:s28+$0x14B40]  }
0x60: {  	v11 =	vadd.f32 v12, v11;
	v12 =	vmul.f32 v15, v16;
	v15 =	vld [tilespmem:s26+$0x80]  }
0x61: {  	v16 =	vld [tilespmem:s28+$0x14D20]  }
0x62: {  	v11 =	vadd.f32 v12, v11;
	v12 =	vmul.f32 v13, v17;
	v13 =	vld [tilespmem:s26+$0x90]  }
0x63: {  	v17 =	vld [tilespmem:s28+$0x14F00]  }
0x64: {  	v11 =	vadd.f32 v12, v11;
	v12 =	vmul.f32 v14, v18;
	v14 =	vld [tilespmem:s26+$0xA0]  }
0x65: {  	v18 =	vld [tilespmem:s28+$0x150E0]  }
0x66: {  	v11 =	vadd.f32 v12, v11;
	v12 =	vmul.f32 v15, v16;
	v15 =	vld [tilespmem:s26+$0xB0]  }
0x67: {  	v16 =	vld [tilespmem:s28+$0x152C0]  }
0x68: {  	v10 =	vld.idx.msk [tilespmem:v10+s11+$0x0], $0xffff;
	v11 =	vadd.f32 v12, v11;
	v12 =	vmul.f32 v13, v17  }
0x69: {  	v17 =	vld [tilespmem:s26+$0xC0]  }
0x6a: {  	v13 =	vld [tilespmem:s28+$0x15680];
	v14 =	vmul.f32 v14, v18;
	v12 =	vadd.f32 v12, v11  }
0x6b: {  	v11 =	vld [tilespmem:s26+$0xD0]  }
0x6c: {  	v16 =	vmul.f32 v15, v16;
	v18 =	vadd.f32 v14, v12;
	v12 =	vld [tilespmem:s26+$0xE0]  }
0x6d: {  	v14 =	vld [tilespmem:s28+$0x15860];
	s26 =	simm.s32 $0x13F10  }
0x6e: {  	s29 =	simm.s32 $0x6980;
	s24 =	sshll.u32 s21, $0x1;
	s28 =	simm.s32 $0x1A50;
	v15 =	vld [tilespmem:s26+$0xFFFFFF10];
	v17 =	vmul.f32 v17, v19;
	v16 =	vadd.f32 v16, v18  }
.LBB2_3:
0x6f: {  	p0 =	seq.s32 s29, $0x7040;
	v18 =	vld [tilespmem:s28+$0x12200]  }
0x70: {  	v19 =	vld [tilespmem:s26+$0xFFFFFF20];
	v16 =	vadd.f32 v17, v16;
	v11 =	vmul.f32 v11, v13  }
0x71: {  	v13 =	vld [tilespmem:s28+$0x123E0]  }
0x72: {  	v17 =	vld [tilespmem:s26+$0xFFFFFF30];
	v11 =	vadd.f32 v11, v16;
	v12 =	vmul.f32 v12, v14  }
0x73: {  	v14 =	vld [tilespmem:s28+$0x125C0]  }
0x74: {  	v15 =	vmul.f32 v15, v18;
	v16 =	vld [tilespmem:s26+$0xFFFFFF40];
	v11 =	vadd.f32 v12, v11  }
0x75: {  	v12 =	vld [tilespmem:s28+$0x127A0]  }
0x76: {  	v11 =	vadd.f32 v15, v11;
	v13 =	vmul.f32 v19, v13;
	v15 =	vld [tilespmem:s26+$0xFFFFFF50]  }
0x77: {  	v18 =	vld [tilespmem:s28+$0x12980]  }
0x78: {  	v11 =	vadd.f32 v13, v11;
	v13 =	vmul.f32 v17, v14;
	v14 =	vld [tilespmem:s26+$0xFFFFFF60]  }
0x79: {  	v17 =	vld [tilespmem:s28+$0x12B60]  }
0x7a: {  	v11 =	vadd.f32 v13, v11;
	v12 =	vmul.f32 v16, v12;
	v13 =	vld [tilespmem:s26+$0xFFFFFF70]  }
0x7b: {  	v16 =	vld [tilespmem:s28+$0x12D40]  }
0x7c: {  	v11 =	vadd.f32 v12, v11;
	v12 =	vmul.f32 v15, v18;
	v15 =	vld [tilespmem:s26+$0xFFFFFF80]  }
0x7d: {  	v18 =	vld [tilespmem:s28+$0x12F20]  }
0x7e: {  	v11 =	vadd.f32 v12, v11;
	v12 =	vmul.f32 v14, v17;
	v14 =	vld [tilespmem:s26+$0xFFFFFF90]  }
0x7f: {  	v17 =	vld [tilespmem:s28+$0x13100]  }
0x80: {  	v11 =	vadd.f32 v12, v11;
	v12 =	vmul.f32 v13, v16;
	v13 =	vld [tilespmem:s26+$0xFFFFFFA0]  }
0x81: {  	v16 =	vld [tilespmem:s28+$0x132E0]  }
0x82: {  	v11 =	vadd.f32 v12, v11;
	v12 =	vmul.f32 v15, v18;
	v15 =	vld [tilespmem:s26+$0xFFFFFFB0]  }
0x83: {  	v18 =	vld [tilespmem:s28+$0x134C0]  }
0x84: {  	v11 =	vadd.f32 v12, v11;
	v12 =	vmul.f32 v14, v17;
	v14 =	vld [tilespmem:s26+$0xFFFFFFC0]  }
0x85: {  	v17 =	vld [tilespmem:s28+$0x136A0]  }
0x86: {  	v11 =	vadd.f32 v12, v11;
	v12 =	vmul.f32 v13, v16;
	v13 =	vld [tilespmem:s26+$0xFFFFFFD0]  }
0x87: {  	v16 =	vld [tilespmem:s28+$0x13880]  }
0x88: {  	v11 =	vadd.f32 v12, v11;
	v12 =	vmul.f32 v15, v18;
	v15 =	vld [tilespmem:s26+$0xFFFFFFE0]  }
0x89: {  	v18 =	vld [tilespmem:s28+$0x13A60]  }
0x8a: {  	v11 =	vadd.f32 v12, v11;
	v12 =	vmul.f32 v14, v17;
	v14 =	vld [tilespmem:s26+$0xFFFFFFF0]  }
0x8b: {  	v17 =	vld [tilespmem:s28+$0x13C40]  }
0x8c: {  	v11 =	vadd.f32 v12, v11;
	v12 =	vmul.f32 v13, v16;
	v13 =	vld [tilespmem:s26+$0x0]  }
0x8d: {  	v16 =	vld [tilespmem:s28+$0x13E20]  }
0x8e: {  	v11 =	vadd.f32 v12, v11;
	v12 =	vmul.f32 v15, v18;
	v15 =	vld [tilespmem:s26+$0x10]  }
0x8f: {  	v18 =	vld [tilespmem:s28+$0x14000]  }
0x90: {  	v11 =	vadd.f32 v12, v11;
	v12 =	vmul.f32 v14, v17;
	v14 =	vld [tilespmem:s26+$0x20]  }
0x91: {  	v17 =	vld [tilespmem:s28+$0x141E0]  }
0x92: {  	v11 =	vadd.f32 v12, v11;
	v12 =	vmul.f32 v13, v16;
	v13 =	vld [tilespmem:s26+$0x30]  }
0x93: {  	v16 =	vld [tilespmem:s28+$0x143C0]  }
0x94: {  	v11 =	vadd.f32 v12, v11;
	v12 =	vmul.f32 v15, v18;
	v15 =	vld [tilespmem:s26+$0x40]  }
0x95: {  	v18 =	vld [tilespmem:s28+$0x145A0]  }
0x96: {  	v11 =	vadd.f32 v12, v11;
	v12 =	vmul.f32 v14, v17;
	v14 =	vld [tilespmem:s26+$0x50]  }
0x97: {  	v17 =	vld [tilespmem:s28+$0x14780]  }
0x98: {  	v11 =	vadd.f32 v12, v11;
	v12 =	vmul.f32 v13, v16;
	v13 =	vld [tilespmem:s26+$0x60]  }
0x99: {  	v16 =	vld [tilespmem:s28+$0x14960]  }
0x9a: {  	v11 =	vadd.f32 v12, v11;
	v12 =	vmul.f32 v15, v18;
	v15 =	vld [tilespmem:s26+$0x70]  }
0x9b: {  	v18 =	vld [tilespmem:s28+$0x14B40]  }
0x9c: {  	v11 =	vadd.f32 v12, v11;
	v12 =	vmul.f32 v14, v17;
	v14 =	vld [tilespmem:s26+$0x80]  }
0x9d: {  	v17 =	vld [tilespmem:s28+$0x14D20]  }
0x9e: {  	v11 =	vadd.f32 v12, v11;
	v12 =	vmul.f32 v13, v16;
	v13 =	vld [tilespmem:s26+$0x90]  }
0x9f: {  	v16 =	vld [tilespmem:s28+$0x14F00]  }
0xa0: {  	v11 =	vadd.f32 v12, v11;
	v12 =	vmul.f32 v15, v18;
	v15 =	vld [tilespmem:s26+$0xA0]  }
0xa1: {  	v18 =	vld [tilespmem:s28+$0x150E0]  }
0xa2: {  	v11 =	vadd.f32 v12, v11;
	v12 =	vmul.f32 v14, v17;
	v14 =	vld [tilespmem:s26+$0xB0]  }
0xa3: {  	v17 =	vld [tilespmem:s28+$0x152C0]  }
0xa4: {  	v11 =	vadd.f32 v12, v11;
	v12 =	vmul.f32 v13, v16;
	v19 =	vld [tilespmem:s26+$0xC0]  }
0xa5: {  	v20 =	vld [tilespmem:s28+$0x154A0]  }
.Ltmp0:
0xa6: {  	v12 =	vadd.f32 v12, v11;
	v15 =	vmul.f32 v15, v18;
	v11 =	vld [tilespmem:s26+$0xD0];
	(pc) =	sbr.rel @!p0 .LBB2_3-.Ltmp0, $4  }
0xa7: {  	v13 =	vld [tilespmem:s28+$0x15680]  }
0xa8: {  	v16 =	vadd.f32 v15, v12;
	v17 =	vmul.f32 v14, v17;
	v12 =	vld [tilespmem:s26+$0xE0]  }
0xa9: {  	s26 =	sadd.s32 $0x1E0, s26;
	v14 =	vld [tilespmem:s28+$0x15860]  }
0xaa: {  	s28 =	sshra.s32 s29, $0x2;
	s29 =	sadd.s32 $0x40, s29;
	v15 =	vld [tilespmem:s26+$0xFFFFFF10];
	v16 =	vadd.f32 v17, v16;
	v17 =	vmul.f32 v19, v20  }
0xab: {  	v18 =	vld [tilespmem:s28+$0x12200]  }
0xac: {  	v19 =	vld [tilespmem:s26+$0xFFFFFF20];
	v16 =	vadd.f32 v17, v16;
	v11 =	vmul.f32 v11, v13  }
0xad: {  	v13 =	vld [tilespmem:s28+$0x123E0]  }
0xae: {  	v17 =	vld [tilespmem:s26+$0xFFFFFF30];
	v11 =	vadd.f32 v11, v16;
	v12 =	vmul.f32 v12, v14  }
0xaf: {  	v14 =	vld [tilespmem:s28+$0x125C0]  }
0xb0: {  	v16 =	vld [tilespmem:s26+$0xFFFFFF40];
	v15 =	vmul.f32 v15, v18;
	v11 =	vadd.f32 v12, v11  }
0xb1: {  	v12 =	vld [tilespmem:s28+$0x127A0]  }
0xb2: {  	v18 =	vld [tilespmem:s28+$0x12980];
	v13 =	vmul.f32 v19, v13;
	v11 =	vadd.f32 v15, v11  }
0xb3: {  	v15 =	vld [tilespmem:s26+$0xFFFFFF50]  }
0xb4: {  	v11 =	vadd.f32 v13, v11;
	v13 =	vmul.f32 v17, v14;
	v14 =	vld [tilespmem:s26+$0xFFFFFF60]  }
0xb5: {  	v17 =	vld [tilespmem:s28+$0x12B60]  }
0xb6: {  	v12 =	vmul.f32 v16, v12;
	v16 =	vld [tilespmem:s28+$0x12D40];
	v11 =	vadd.f32 v13, v11  }
0xb7: {  	v13 =	vld [tilespmem:s26+$0xFFFFFF70]  }
0xb8: {  	v11 =	vadd.f32 v12, v11;
	v12 =	vmul.f32 v15, v18;
	v15 =	vld [tilespmem:s26+$0xFFFFFF80]  }
0xb9: {  	v18 =	vld [tilespmem:s28+$0x12F20]  }
0xba: {  	v11 =	vadd.f32 v12, v11;
	v12 =	vmul.f32 v14, v17;
	v14 =	vld [tilespmem:s26+$0xFFFFFF90]  }
0xbb: {  	v17 =	vld [tilespmem:s28+$0x13100]  }
0xbc: {  	v11 =	vadd.f32 v12, v11;
	v12 =	vmul.f32 v13, v16;
	v13 =	vld [tilespmem:s26+$0xFFFFFFA0]  }
0xbd: {  	v16 =	vld [tilespmem:s28+$0x132E0]  }
0xbe: {  	v11 =	vadd.f32 v12, v11;
	v12 =	vmul.f32 v15, v18;
	v15 =	vld [tilespmem:s26+$0xFFFFFFB0]  }
0xbf: {  	v18 =	vld [tilespmem:s28+$0x134C0]  }
0xc0: {  	v11 =	vadd.f32 v12, v11;
	v12 =	vmul.f32 v14, v17;
	v14 =	vld [tilespmem:s26+$0xFFFFFFC0]  }
0xc1: {  	v17 =	vld [tilespmem:s28+$0x136A0]  }
0xc2: {  	v11 =	vadd.f32 v12, v11;
	v12 =	vmul.f32 v13, v16;
	v13 =	vld [tilespmem:s26+$0xFFFFFFD0]  }
0xc3: {  	v16 =	vld [tilespmem:s28+$0x13880]  }
0xc4: {  	v11 =	vadd.f32 v12, v11;
	v12 =	vmul.f32 v15, v18;
	v15 =	vld [tilespmem:s26+$0xFFFFFFE0]  }
0xc5: {  	v18 =	vld [tilespmem:s28+$0x13A60]  }
0xc6: {  	v11 =	vadd.f32 v12, v11;
	v12 =	vmul.f32 v14, v17;
	v14 =	vld [tilespmem:s26+$0xFFFFFFF0]  }
0xc7: {  	v17 =	vld [tilespmem:s28+$0x13C40]  }
0xc8: {  	v11 =	vadd.f32 v12, v11;
	v12 =	vmul.f32 v13, v16;
	v13 =	vld [tilespmem:s26+$0x0]  }
0xc9: {  	v16 =	vld [tilespmem:s28+$0x13E20]  }
0xca: {  	v11 =	vadd.f32 v12, v11;
	v12 =	vmul.f32 v15, v18;
	v15 =	vld [tilespmem:s26+$0x10]  }
0xcb: {  	v18 =	vld [tilespmem:s28+$0x14000]  }
0xcc: {  	v11 =	vadd.f32 v12, v11;
	v12 =	vmul.f32 v14, v17;
	v14 =	vld [tilespmem:s26+$0x20]  }
0xcd: {  	v17 =	vld [tilespmem:s28+$0x141E0]  }
0xce: {  	v11 =	vadd.f32 v12, v11;
	v12 =	vmul.f32 v13, v16;
	v13 =	vld [tilespmem:s26+$0x30]  }
0xcf: {  	v16 =	vld [tilespmem:s28+$0x143C0]  }
0xd0: {  	v11 =	vadd.f32 v12, v11;
	v12 =	vmul.f32 v15, v18;
	v15 =	vld [tilespmem:s26+$0x40]  }
0xd1: {  	v18 =	vld [tilespmem:s28+$0x145A0]  }
0xd2: {  	v11 =	vadd.f32 v12, v11;
	v12 =	vmul.f32 v14, v17;
	v14 =	vld [tilespmem:s26+$0x50]  }
0xd3: {  	v17 =	vld [tilespmem:s28+$0x14780]  }
0xd4: {  	v11 =	vadd.f32 v12, v11;
	v12 =	vmul.f32 v13, v16;
	v13 =	vld [tilespmem:s26+$0x60]  }
0xd5: {  	v16 =	vld [tilespmem:s28+$0x14960]  }
0xd6: {  	v11 =	vadd.f32 v12, v11;
	v12 =	vmul.f32 v15, v18;
	v15 =	vld [tilespmem:s26+$0x70]  }
0xd7: {  	v18 =	vld [tilespmem:s28+$0x14B40]  }
0xd8: {  	v11 =	vadd.f32 v12, v11;
	v12 =	vmul.f32 v14, v17;
	v14 =	vld [tilespmem:s26+$0x80]  }
0xd9: {  	v17 =	vld [tilespmem:s28+$0x14D20]  }
0xda: {  	v11 =	vadd.f32 v12, v11;
	v12 =	vmul.f32 v13, v16;
	v13 =	vld [tilespmem:s26+$0x90]  }
0xdb: {  	v16 =	vld [tilespmem:s28+$0x14F00]  }
0xdc: {  	v11 =	vadd.f32 v12, v11;
	v12 =	vmul.f32 v15, v18;
	v15 =	vld [tilespmem:s26+$0xA0]  }
0xdd: {  	v18 =	vld [tilespmem:s28+$0x150E0]  }
0xde: {  	v11 =	vadd.f32 v12, v11;
	v12 =	vmul.f32 v14, v17;
	v14 =	vld [tilespmem:s26+$0xB0]  }
0xdf: {  	v17 =	vld [tilespmem:s28+$0x152C0]  }
0xe0: {  	v11 =	vadd.f32 v12, v11;
	v12 =	vmul.f32 v13, v16;
	v13 =	vld [tilespmem:s26+$0xC0]  }
0xe1: {  	v16 =	vld [tilespmem:s28+$0x154A0]  }
0xe2: {  	v11 =	vadd.f32 v12, v11;
	v12 =	vmul.f32 v15, v18;
	v15 =	vld [tilespmem:s26+$0xD0]  }
0xe3: {  	v18 =	vld [tilespmem:s28+$0x15680]  }
0xe4: {  	v11 =	vadd.f32 v12, v11;
	v12 =	vmul.f32 v14, v17;
	v14 =	vld [tilespmem:s26+$0xE0]  }
0xe5: {  	v17 =	vld [tilespmem:s28+$0x15860]  }
0xe6: {  	v11 =	vadd.f32 v12, v11;
	v12 =	vmul.f32 v13, v16;
	_ =	sdelay $0x1  }
0xe7: {  	v11 =	vadd.f32 v12, v11;
	v12 =	vmul.f32 v15, v18;
	_ =	sdelay $0x1  }
0xe8: {  	v11 =	vadd.f32 v12, v11;
	v12 =	vmul.f32 v14, v17  }
0xe9: {  	v13 =	vld [tilespmem:$0x13E30]  }
0xea: {  	v11 =	vadd.f32 v12, v11;
	v12 =	vld [tilespmem:$0x13C40];
	_ =	sdelay $0x1  }
0xeb: {  	v14 =	vld [tilespmem:$0x14020];
	_ =	sdelay $0x1  }
0xec: {  	v15 =	vld [tilespmem:$0x14210]  }
0xed: {  	v13 =	vmul.f32 v13, v13;
	v12 =	vmul.f32 v12, v12  }
0xee: {  	v16 =	vld [tilespmem:$0x14400]  }
0xef: {  	v12 =	vadd.f32 v13, v12;
	v13 =	vmul.f32 v14, v14  }
0xf0: {  	v14 =	vld [tilespmem:$0x145F0]  }
0xf1: {  	v12 =	vadd.f32 v13, v12;
	v13 =	vmul.f32 v15, v15  }
0xf2: {  	v15 =	vld [tilespmem:$0x147E0]  }
0xf3: {  	v12 =	vadd.f32 v13, v12;
	v13 =	vmul.f32 v16, v16  }
0xf4: {  	v16 =	vld [tilespmem:$0x149D0]  }
0xf5: {  	v12 =	vadd.f32 v13, v12;
	v13 =	vmul.f32 v14, v14  }
0xf6: {  	v14 =	vld [tilespmem:$0x14BC0]  }
0xf7: {  	v12 =	vadd.f32 v13, v12;
	v13 =	vmul.f32 v15, v15  }
0xf8: {  	v15 =	vld [tilespmem:$0x14DB0]  }
0xf9: {  	v12 =	vadd.f32 v13, v12;
	v13 =	vmul.f32 v16, v16  }
0xfa: {  	v16 =	vld [tilespmem:$0x14FA0]  }
0xfb: {  	v12 =	vadd.f32 v13, v12;
	v13 =	vmul.f32 v14, v14  }
0xfc: {  	v14 =	vld [tilespmem:$0x15190]  }
0xfd: {  	v12 =	vadd.f32 v13, v12;
	v13 =	vmul.f32 v15, v15  }
0xfe: {  	v15 =	vld [tilespmem:$0x15380]  }
0xff: {  	v12 =	vadd.f32 v13, v12;
	v13 =	vmul.f32 v16, v16  }
0x100: {  	v16 =	vld [tilespmem:$0x15570]  }
0x101: {  	v12 =	vadd.f32 v13, v12;
	v13 =	vmul.f32 v14, v14  }
0x102: {  	v14 =	vld [tilespmem:$0x15760]  }
0x103: {  	v12 =	vadd.f32 v13, v12;
	v13 =	vmul.f32 v15, v15  }
0x104: {  	v15 =	vld [tilespmem:$0x15950]  }
0x105: {  	v12 =	vadd.f32 v13, v12;
	v13 =	vmul.f32 v16, v16  }
0x106: {  	v16 =	vld [tilespmem:$0x15B40]  }
0x107: {  	v12 =	vadd.f32 v13, v12;
	v13 =	vmul.f32 v14, v14  }
0x108: {  	v14 =	vld [tilespmem:$0x15D30]  }
0x109: {  	v12 =	vadd.f32 v13, v12;
	v13 =	vmul.f32 v15, v15  }
0x10a: {  	v15 =	vld [tilespmem:$0x15F20]  }
0x10b: {  	v12 =	vadd.f32 v13, v12;
	v13 =	vmul.f32 v16, v16  }
0x10c: {  	v16 =	vld [tilespmem:$0x16110]  }
0x10d: {  	v12 =	vadd.f32 v13, v12;
	v13 =	vmul.f32 v14, v14  }
0x10e: {  	v14 =	vld [tilespmem:$0x16300]  }
0x10f: {  	v12 =	vadd.f32 v13, v12;
	v13 =	vmul.f32 v15, v15  }
0x110: {  	v15 =	vld [tilespmem:$0x164F0]  }
0x111: {  	v12 =	vadd.f32 v13, v12;
	v13 =	vmul.f32 v16, v16  }
0x112: {  	v16 =	vld [tilespmem:$0x166E0]  }
0x113: {  	v12 =	vadd.f32 v13, v12;
	v13 =	vmul.f32 v14, v14  }
0x114: {  	v14 =	vld [tilespmem:$0x168D0]  }
0x115: {  	v12 =	vadd.f32 v13, v12;
	v13 =	vmul.f32 v15, v15  }
0x116: {  	v15 =	vld [tilespmem:$0x16AC0]  }
0x117: {  	v12 =	vadd.f32 v13, v12;
	v13 =	vmul.f32 v16, v16  }
0x118: {  	v16 =	vld [tilespmem:$0x16CB0]  }
0x119: {  	v12 =	vadd.f32 v13, v12;
	v13 =	vmul.f32 v14, v14  }
0x11a: {  	v14 =	vld [tilespmem:$0x16EA0]  }
0x11b: {  	v12 =	vadd.f32 v13, v12;
	v13 =	vmul.f32 v15, v15  }
0x11c: {  	v15 =	vld [tilespmem:$0x17090]  }
0x11d: {  	v12 =	vadd.f32 v13, v12;
	v13 =	vmul.f32 v16, v16  }
0x11e: {  	v16 =	vld [tilespmem:$0x17280]  }
0x11f: {  	v12 =	vadd.f32 v13, v12;
	v13 =	vmul.f32 v14, v14  }
0x120: {  	v14 =	vld [tilespmem:$0x17470]  }
0x121: {  	v12 =	vadd.f32 v13, v12;
	v13 =	vmul.f32 v15, v15;
	_ =	sdelay $0x1  }
0x122: {  	v12 =	vadd.f32 v13, v12;
	v13 =	vmul.f32 v16, v16;
	_ =	sdelay $0x1  }
0x123: {  	v12 =	vadd.f32 v13, v12;
	v13 =	vmul.f32 v14, v14;
	_ =	sdelay $0x1  }
0x124: {  	v12 =	vadd.f32 v13, v12;
	_ =	sdelay $0x1  }
0x125: {  	v11 =	vsub.f32 v11, v12  }
0x126: {  	v10 =	vnsel vm1, $0x0, v10  }
0x127: {  	v9 =	vadd.f32 v10, v9;
	v10 =	vmul.f32 $5.000000000e-01, v11;
	_ =	sdelay $0x1  }
0x128: {  	v9 =	vadd.f32 v10, v9;
	_ =	sdelay $0x1  }
0x129: {  	v10 =	vperm.xlane v9, v1  }
0x12a: {  	p0 =	seq.s32 s21, $0x3F  }
0x12b: {  	v9 =	vadd.f32 v10, v9;
	v10 =	vimm.s32 @!p0 $0xDCBA9876  }
0x12c: {  	v11 =	vimm.s32 @!p0 $0x54321000;
	v10 =	vunpack.c.l.s4.s8 @!p0 v10  }
0x12d: {  	v14 =	vld @!p0 [tilespmem:s25+$0x50];
	v11 =	vunpack.c.l.s4.s8 @!p0 v11;
	v12 =	vperm.xlane v9, v2  }
0x12e: {  	v13 =	vld @!p0 [tilespmem:s25+$0x40];
	v10 =	vunpack.c.0.s8.s32 @!p0 v10  }
0x12f: {  	v11 =	vunpack.c.0.s8.s32 @!p0 v11;
	v9 =	vadd.f32 v12, v9;
	v12 =	vimm.s32 @!p0 $0xF0E  }
0x130: {  	v12 =	vunpack.c.0.s8.s32 @!p0 v12;
	v10 =	vand.u32 @!p0 $0xF, v10  }
0x131: {  	vm2 =	vcmask @!p0 $0xF00;
	v10 =	vcombine.low @!p0 v11, v10;
	v11 =	vperm.xlane v9, v3  }
0x132: {  	v12 =	vnsel @!p0 vm2, $0x0, v12  }
0x133: {  	v9 =	vadd.f32 v11, v9;
	v11 =	vperm.xlane @!p0 v13, v12;
	v10 =	vperm.xlane @!p0 v14, v10  }
0x134: {  	vm2 =	vmmov @!p0 $0x3  }
0x135: {  	[tilespmem:$0x13C00] =	vst @!p0 v13;
	v10 =	vsel @!p0 vm2, v11, v10  }
0x136: {  	s26 =	simm.s32 @!p0 $0x13C00;
	s28 =	simm.s32 @!p0 $0x13C40;
	s25 =	simm.s32 @!p0 $0x1E;
	[tilespmem:$0x13C0E] =	vst @!p0 v10  }
0x137: {  	v12 =	vperm.xlane v9, v5;
	[tilespmem:s28], [sflag:$0x1] =	stream.indirect.gather @!p0 [hbm4b:s5+s25], $0x1E0, s26, s25, $0xb8;
	[tilespmem:$0x1AD50] =	vst v63  }
0x138: {  	s24 =	sand.u32 $0xE, s24;
	_ =	swait.ge [sflag:s18], $0x3840  }
0x139: {  	v10 =	vmov s24;
	v9 =	vadd.f32 v12, v9;
	[sflag:s18] =	ssyncset.done $0x0  }
0x13a: {  	vm2 =	veq.s32 v10, v6;
	[sflag:s18] =	ssyncadd.s32 $0xFFFFC7C0  }
0x13b: {  	v8 =	vsel vm2, v9, v8;
	v9 =	vld [tilespmem:s23+$0x0]  }
0x13c: {  	s30 =	simm.s32 $0x17570;
	v10 =	vld [tilespmem:s23+$0x10]  }
0x13d: {  	s31 =	simm.s32 $0x1A40;
	v12 =	vld [tilespmem:s30+$0xFFFFFF10]  }
0x13e: {  	v13 =	vld [tilespmem:s31+$0x15A40]  }
0x13f: {  	v14 =	vld [tilespmem:s30+$0xFFFFFF20]  }
0x140: {  	v15 =	vld [tilespmem:s31+$0x15C20]  }
0x141: {  	v16 =	vld [tilespmem:s30+$0xFFFFFF30]  }
0x142: {  	v17 =	vld [tilespmem:s31+$0x15E00]  }
0x143: {  	v18 =	vld [tilespmem:s31+$0x15FE0]  }
0x144: {  	v19 =	vld [tilespmem:s31+$0x18CE0];
	v12 =	vmul.f32 v12, v13  }
0x145: {  	v11 =	vimm.f32 $0.0e+00;
	v13 =	vld [tilespmem:s30+$0xFFFFFF40]  }
0x146: {  	v11 =	vadd.f32 v12, v11;
	v12 =	vmul.f32 v14, v15;
	v14 =	vld [tilespmem:s30+$0xFFFFFF50]  }
0x147: {  	v15 =	vld [tilespmem:s31+$0x161C0]  }
0x148: {  	v9 =	vld.idx.msk [tilespmem:v9+s11+$0x0], $0xffff  }
0x149: {  	v11 =	vadd.f32 v12, v11;
	v12 =	vmul.f32 v16, v17;
	v16 =	vld [tilespmem:s30+$0xFFFFFF60]  }
0x14a: {  	v17 =	vld [tilespmem:s31+$0x163A0]  }
0x14b: {  	v11 =	vadd.f32 v12, v11;
	v12 =	vmul.f32 v13, v18;
	v13 =	vld [tilespmem:s30+$0xFFFFFF70]  }
0x14c: {  	v18 =	vld [tilespmem:s31+$0x16580]  }
0x14d: {  	v11 =	vadd.f32 v12, v11;
	v12 =	vmul.f32 v14, v15;
	v14 =	vld [tilespmem:s30+$0xFFFFFF80]  }
0x14e: {  	v15 =	vld [tilespmem:s31+$0x16760]  }
0x14f: {  	v11 =	vadd.f32 v12, v11;
	v12 =	vmul.f32 v16, v17;
	v16 =	vld [tilespmem:s30+$0xFFFFFF90]  }
0x150: {  	v17 =	vld [tilespmem:s31+$0x16940]  }
0x151: {  	v11 =	vadd.f32 v12, v11;
	v12 =	vmul.f32 v13, v18;
	v13 =	vld [tilespmem:s30+$0xFFFFFFA0]  }
0x152: {  	v18 =	vld [tilespmem:s31+$0x16B20]  }
0x153: {  	v11 =	vadd.f32 v12, v11;
	v12 =	vmul.f32 v14, v15;
	v14 =	vld [tilespmem:s30+$0xFFFFFFB0]  }
0x154: {  	v15 =	vld [tilespmem:s31+$0x16D00]  }
0x155: {  	v11 =	vadd.f32 v12, v11;
	v12 =	vmul.f32 v16, v17;
	v16 =	vld [tilespmem:s30+$0xFFFFFFC0]  }
0x156: {  	v17 =	vld [tilespmem:s31+$0x16EE0]  }
0x157: {  	v11 =	vadd.f32 v12, v11;
	v12 =	vmul.f32 v13, v18;
	v13 =	vld [tilespmem:s30+$0xFFFFFFD0]  }
0x158: {  	v18 =	vld [tilespmem:s31+$0x170C0]  }
0x159: {  	v11 =	vadd.f32 v12, v11;
	v12 =	vmul.f32 v14, v15;
	v14 =	vld [tilespmem:s30+$0xFFFFFFE0]  }
0x15a: {  	v15 =	vld [tilespmem:s31+$0x172A0]  }
0x15b: {  	v11 =	vadd.f32 v12, v11;
	v12 =	vmul.f32 v16, v17;
	v16 =	vld [tilespmem:s30+$0xFFFFFFF0]  }
0x15c: {  	v17 =	vld [tilespmem:s31+$0x17480]  }
0x15d: {  	v11 =	vadd.f32 v12, v11;
	v12 =	vmul.f32 v13, v18;
	v13 =	vld [tilespmem:s30+$0x0]  }
0x15e: {  	v18 =	vld [tilespmem:s31+$0x17660]  }
0x15f: {  	v11 =	vadd.f32 v12, v11;
	v12 =	vmul.f32 v14, v15;
	v14 =	vld [tilespmem:s30+$0x10]  }
0x160: {  	v15 =	vld [tilespmem:s31+$0x17840]  }
0x161: {  	v11 =	vadd.f32 v12, v11;
	v12 =	vmul.f32 v16, v17;
	v16 =	vld [tilespmem:s30+$0x20]  }
0x162: {  	v17 =	vld [tilespmem:s31+$0x17A20]  }
0x163: {  	v11 =	vadd.f32 v12, v11;
	v12 =	vmul.f32 v13, v18;
	v13 =	vld [tilespmem:s30+$0x30]  }
0x164: {  	v18 =	vld [tilespmem:s31+$0x17C00]  }
0x165: {  	v11 =	vadd.f32 v12, v11;
	v12 =	vmul.f32 v14, v15;
	v14 =	vld [tilespmem:s30+$0x40]  }
0x166: {  	v15 =	vld [tilespmem:s31+$0x17DE0]  }
0x167: {  	v11 =	vadd.f32 v12, v11;
	v12 =	vmul.f32 v16, v17;
	v16 =	vld [tilespmem:s30+$0x50]  }
0x168: {  	v17 =	vld [tilespmem:s31+$0x17FC0]  }
0x169: {  	v11 =	vadd.f32 v12, v11;
	v12 =	vmul.f32 v13, v18;
	v13 =	vld [tilespmem:s30+$0x60]  }
0x16a: {  	v18 =	vld [tilespmem:s31+$0x181A0]  }
0x16b: {  	v11 =	vadd.f32 v12, v11;
	v12 =	vmul.f32 v14, v15;
	v14 =	vld [tilespmem:s30+$0x70]  }
0x16c: {  	v15 =	vld [tilespmem:s31+$0x18380]  }
0x16d: {  	v11 =	vadd.f32 v12, v11;
	v12 =	vmul.f32 v16, v17;
	v16 =	vld [tilespmem:s30+$0x80]  }
0x16e: {  	v17 =	vld [tilespmem:s31+$0x18560]  }
0x16f: {  	v11 =	vadd.f32 v12, v11;
	v12 =	vmul.f32 v13, v18;
	v13 =	vld [tilespmem:s30+$0x90]  }
0x170: {  	v18 =	vld [tilespmem:s31+$0x18740]  }
0x171: {  	v11 =	vadd.f32 v12, v11;
	v12 =	vmul.f32 v14, v15;
	v14 =	vld [tilespmem:s30+$0xA0]  }
0x172: {  	v15 =	vld [tilespmem:s31+$0x18920]  }
0x173: {  	v11 =	vadd.f32 v12, v11;
	v12 =	vmul.f32 v16, v17;
	v16 =	vld [tilespmem:s30+$0xB0]  }
0x174: {  	v17 =	vld [tilespmem:s31+$0x18B00]  }
0x175: {  	v10 =	vld.idx.msk [tilespmem:v10+s11+$0x0], $0xffff;
	v11 =	vadd.f32 v12, v11;
	v12 =	vmul.f32 v13, v18  }
0x176: {  	v18 =	vld [tilespmem:s30+$0xC0]  }
0x177: {  	v13 =	vld [tilespmem:s31+$0x18EC0];
	v14 =	vmul.f32 v14, v15;
	v12 =	vadd.f32 v12, v11  }
0x178: {  	v11 =	vld [tilespmem:s30+$0xD0]  }
0x179: {  	v16 =	vmul.f32 v16, v17;
	v20 =	vadd.f32 v14, v12;
	v12 =	vld [tilespmem:s30+$0xE0]  }
0x17a: {  	s23 =	simm.s32 $0x17750;
	v14 =	vld [tilespmem:s31+$0x190A0]  }
0x17b: {  	s24 =	simm.s32 $0x1A50;
	s25 =	simm.s32 $0x6980;
	v15 =	vld [tilespmem:s23+$0xFFFFFF10];
	v17 =	vmul.f32 v18, v19;
	v16 =	vadd.f32 v16, v20  }
.LBB2_5:
0x17c: {  	p0 =	seq.s32 s25, $0x7040;
	v18 =	vld [tilespmem:s24+$0x15A40]  }
0x17d: {  	v19 =	vld [tilespmem:s23+$0xFFFFFF20];
	v16 =	vadd.f32 v17, v16;
	v11 =	vmul.f32 v11, v13  }
0x17e: {  	v13 =	vld [tilespmem:s24+$0x15C20]  }
0x17f: {  	v17 =	vld [tilespmem:s23+$0xFFFFFF30];
	v11 =	vadd.f32 v11, v16;
	v12 =	vmul.f32 v12, v14  }
0x180: {  	v14 =	vld [tilespmem:s24+$0x15E00]  }
0x181: {  	v15 =	vmul.f32 v15, v18;
	v16 =	vld [tilespmem:s23+$0xFFFFFF40];
	v11 =	vadd.f32 v12, v11  }
0x182: {  	v12 =	vld [tilespmem:s24+$0x15FE0]  }
0x183: {  	v11 =	vadd.f32 v15, v11;
	v13 =	vmul.f32 v19, v13;
	v15 =	vld [tilespmem:s23+$0xFFFFFF50]  }
0x184: {  	v18 =	vld [tilespmem:s24+$0x161C0]  }
0x185: {  	v11 =	vadd.f32 v13, v11;
	v13 =	vmul.f32 v17, v14;
	v14 =	vld [tilespmem:s23+$0xFFFFFF60]  }
0x186: {  	v17 =	vld [tilespmem:s24+$0x163A0]  }
0x187: {  	v11 =	vadd.f32 v13, v11;
	v12 =	vmul.f32 v16, v12;
	v13 =	vld [tilespmem:s23+$0xFFFFFF70]  }
0x188: {  	v16 =	vld [tilespmem:s24+$0x16580]  }
0x189: {  	v11 =	vadd.f32 v12, v11;
	v12 =	vmul.f32 v15, v18;
	v15 =	vld [tilespmem:s23+$0xFFFFFF80]  }
0x18a: {  	v18 =	vld [tilespmem:s24+$0x16760]  }
0x18b: {  	v11 =	vadd.f32 v12, v11;
	v12 =	vmul.f32 v14, v17;
	v14 =	vld [tilespmem:s23+$0xFFFFFF90]  }
0x18c: {  	v17 =	vld [tilespmem:s24+$0x16940]  }
0x18d: {  	v11 =	vadd.f32 v12, v11;
	v12 =	vmul.f32 v13, v16;
	v13 =	vld [tilespmem:s23+$0xFFFFFFA0]  }
0x18e: {  	v16 =	vld [tilespmem:s24+$0x16B20]  }
0x18f: {  	v11 =	vadd.f32 v12, v11;
	v12 =	vmul.f32 v15, v18;
	v15 =	vld [tilespmem:s23+$0xFFFFFFB0]  }
0x190: {  	v18 =	vld [tilespmem:s24+$0x16D00]  }
0x191: {  	v11 =	vadd.f32 v12, v11;
	v12 =	vmul.f32 v14, v17;
	v14 =	vld [tilespmem:s23+$0xFFFFFFC0]  }
0x192: {  	v17 =	vld [tilespmem:s24+$0x16EE0]  }
0x193: {  	v11 =	vadd.f32 v12, v11;
	v12 =	vmul.f32 v13, v16;
	v13 =	vld [tilespmem:s23+$0xFFFFFFD0]  }
0x194: {  	v16 =	vld [tilespmem:s24+$0x170C0]  }
0x195: {  	v11 =	vadd.f32 v12, v11;
	v12 =	vmul.f32 v15, v18;
	v15 =	vld [tilespmem:s23+$0xFFFFFFE0]  }
0x196: {  	v18 =	vld [tilespmem:s24+$0x172A0]  }
0x197: {  	v11 =	vadd.f32 v12, v11;
	v12 =	vmul.f32 v14, v17;
	v14 =	vld [tilespmem:s23+$0xFFFFFFF0]  }
0x198: {  	v17 =	vld [tilespmem:s24+$0x17480]  }
0x199: {  	v11 =	vadd.f32 v12, v11;
	v12 =	vmul.f32 v13, v16;
	v13 =	vld [tilespmem:s23+$0x0]  }
0x19a: {  	v16 =	vld [tilespmem:s24+$0x17660]  }
0x19b: {  	v11 =	vadd.f32 v12, v11;
	v12 =	vmul.f32 v15, v18;
	v15 =	vld [tilespmem:s23+$0x10]  }
0x19c: {  	v18 =	vld [tilespmem:s24+$0x17840]  }
0x19d: {  	v11 =	vadd.f32 v12, v11;
	v12 =	vmul.f32 v14, v17;
	v14 =	vld [tilespmem:s23+$0x20]  }
0x19e: {  	v17 =	vld [tilespmem:s24+$0x17A20]  }
0x19f: {  	v11 =	vadd.f32 v12, v11;
	v12 =	vmul.f32 v13, v16;
	v13 =	vld [tilespmem:s23+$0x30]  }
0x1a0: {  	v16 =	vld [tilespmem:s24+$0x17C00]  }
0x1a1: {  	v11 =	vadd.f32 v12, v11;
	v12 =	vmul.f32 v15, v18;
	v15 =	vld [tilespmem:s23+$0x40]  }
0x1a2: {  	v18 =	vld [tilespmem:s24+$0x17DE0]  }
0x1a3: {  	v11 =	vadd.f32 v12, v11;
	v12 =	vmul.f32 v14, v17;
	v14 =	vld [tilespmem:s23+$0x50]  }
0x1a4: {  	v17 =	vld [tilespmem:s24+$0x17FC0]  }
0x1a5: {  	v11 =	vadd.f32 v12, v11;
	v12 =	vmul.f32 v13, v16;
	v13 =	vld [tilespmem:s23+$0x60]  }
0x1a6: {  	v16 =	vld [tilespmem:s24+$0x181A0]  }
0x1a7: {  	v11 =	vadd.f32 v12, v11;
	v12 =	vmul.f32 v15, v18;
	v15 =	vld [tilespmem:s23+$0x70]  }
0x1a8: {  	v18 =	vld [tilespmem:s24+$0x18380]  }
0x1a9: {  	v11 =	vadd.f32 v12, v11;
	v12 =	vmul.f32 v14, v17;
	v14 =	vld [tilespmem:s23+$0x80]  }
0x1aa: {  	v17 =	vld [tilespmem:s24+$0x18560]  }
0x1ab: {  	v11 =	vadd.f32 v12, v11;
	v12 =	vmul.f32 v13, v16;
	v13 =	vld [tilespmem:s23+$0x90]  }
0x1ac: {  	v16 =	vld [tilespmem:s24+$0x18740]  }
0x1ad: {  	v11 =	vadd.f32 v12, v11;
	v12 =	vmul.f32 v15, v18;
	v15 =	vld [tilespmem:s23+$0xA0]  }
0x1ae: {  	v18 =	vld [tilespmem:s24+$0x18920]  }
0x1af: {  	v11 =	vadd.f32 v12, v11;
	v12 =	vmul.f32 v14, v17;
	v14 =	vld [tilespmem:s23+$0xB0]  }
0x1b0: {  	v17 =	vld [tilespmem:s24+$0x18B00]  }
0x1b1: {  	v11 =	vadd.f32 v12, v11;
	v12 =	vmul.f32 v13, v16;
	v19 =	vld [tilespmem:s23+$0xC0]  }
0x1b2: {  	v20 =	vld [tilespmem:s24+$0x18CE0]  }
.Ltmp1:
0x1b3: {  	v12 =	vadd.f32 v12, v11;
	v15 =	vmul.f32 v15, v18;
	v11 =	vld [tilespmem:s23+$0xD0];
	(pc) =	sbr.rel @!p0 .LBB2_5-.Ltmp1, $4  }
0x1b4: {  	v13 =	vld [tilespmem:s24+$0x18EC0]  }
0x1b5: {  	v16 =	vadd.f32 v15, v12;
	v17 =	vmul.f32 v14, v17;
	v12 =	vld [tilespmem:s23+$0xE0]  }
0x1b6: {  	s23 =	sadd.s32 $0x1E0, s23;
	v14 =	vld [tilespmem:s24+$0x190A0]  }
0x1b7: {  	s24 =	sshra.s32 s25, $0x2;
	s25 =	sadd.s32 $0x40, s25;
	v15 =	vld [tilespmem:s23+$0xFFFFFF10];
	v16 =	vadd.f32 v17, v16;
	v17 =	vmul.f32 v19, v20  }
0x1b8: {  	v18 =	vld [tilespmem:s24+$0x15A40]  }
0x1b9: {  	v19 =	vld [tilespmem:s23+$0xFFFFFF20]  }
0x1ba: {  	v53 =	vld [tilespmem:s24+$0x15C20]  }
0x1bb: {  	v54 =	vld [tilespmem:s23+$0xFFFFFF30]  }
0x1bc: {  	v55 =	vld [tilespmem:s24+$0x15E00]  }
0x1bd: {  	v56 =	vld [tilespmem:s23+$0xFFFFFF40]  }
0x1be: {  	v57 =	vld [tilespmem:s24+$0x15FE0]  }
0x1bf: {  	v58 =	vld [tilespmem:s23+$0xFFFFFF50];
	v16 =	vadd.f32 v17, v16;
	v11 =	vmul.f32 v11, v13  }
0x1c0: {  	v59 =	vld [tilespmem:s24+$0x161C0]  }
0x1c1: {  	v61 =	vld [tilespmem:s23+$0xFFFFFF60];
	v11 =	vadd.f32 v11, v16;
	v12 =	vmul.f32 v12, v14  }
0x1c2: {  	v62 =	vld [tilespmem:s24+$0x163A0]  }
0x1c3: {  	v63 =	vld [tilespmem:s23+$0xFFFFFF70];
	v15 =	vmul.f32 v15, v18;
	v11 =	vadd.f32 v12, v11  }
0x1c4: {  	v21 =	vld [tilespmem:s24+$0x16580]  }
0x1c5: {  	v23 =	vld [tilespmem:s23+$0xFFFFFF80];
	v13 =	vmul.f32 v19, v53;
	v11 =	vadd.f32 v15, v11  }
0x1c6: {  	v24 =	vld [tilespmem:s24+$0x16760]  }
0x1c7: {  	v26 =	vld [tilespmem:s23+$0xFFFFFF90];
	v60 =	vmul.f32 v54, v55;
	v11 =	vadd.f32 v13, v11  }
0x1c8: {  	v27 =	vld [tilespmem:s24+$0x16940]  }
0x1c9: {  	v29 =	vld [tilespmem:s23+$0xFFFFFFA0];
	v12 =	vmul.f32 v56, v57;
	v11 =	vadd.f32 v60, v11  }
0x1ca: {  	v30 =	vld [tilespmem:s24+$0x16B20]  }
0x1cb: {  	v32 =	vld [tilespmem:s23+$0xFFFFFFB0];
	v22 =	vmul.f32 v58, v59;
	v11 =	vadd.f32 v12, v11  }
0x1cc: {  	v33 =	vld [tilespmem:s24+$0x16D00]  }
0x1cd: {  	v35 =	vld [tilespmem:s23+$0xFFFFFFC0];
	v25 =	vmul.f32 v61, v62;
	v11 =	vadd.f32 v22, v11  }
0x1ce: {  	v36 =	vld [tilespmem:s24+$0x16EE0]  }
0x1cf: {  	v38 =	vld [tilespmem:s23+$0xFFFFFFD0];
	v28 =	vmul.f32 v63, v21;
	v11 =	vadd.f32 v25, v11  }
0x1d0: {  	v39 =	vld [tilespmem:s24+$0x170C0]  }
0x1d1: {  	v41 =	vld [tilespmem:s23+$0xFFFFFFE0];
	v31 =	vmul.f32 v23, v24;
	v11 =	vadd.f32 v28, v11  }
0x1d2: {  	v42 =	vld [tilespmem:s24+$0x172A0]  }
0x1d3: {  	v44 =	vld [tilespmem:s23+$0xFFFFFFF0];
	v34 =	vmul.f32 v26, v27;
	v11 =	vadd.f32 v31, v11  }
0x1d4: {  	v45 =	vld [tilespmem:s24+$0x17480]  }
0x1d5: {  	v47 =	vld [tilespmem:s23+$0x0];
	v37 =	vmul.f32 v29, v30;
	v11 =	vadd.f32 v34, v11  }
0x1d6: {  	v48 =	vld [tilespmem:s24+$0x17660]  }
0x1d7: {  	v50 =	vld [tilespmem:s23+$0x10];
	v40 =	vmul.f32 v32, v33;
	v11 =	vadd.f32 v37, v11  }
0x1d8: {  	v51 =	vld [tilespmem:s24+$0x17840]  }
0x1d9: {  	v20 =	vld [tilespmem:$0x185F0];
	v43 =	vmul.f32 v35, v36;
	v11 =	vadd.f32 v40, v11  }
0x1da: {  	v53 =	vld [tilespmem:s23+$0x20]  }
0x1db: {  	v46 =	vmul.f32 v38, v39;
	v54 =	vld [tilespmem:s24+$0x17A20];
	v11 =	vadd.f32 v43, v11  }
0x1dc: {  	v56 =	vld [tilespmem:s23+$0x30]  }
0x1dd: {  	v49 =	vmul.f32 v41, v42;
	v57 =	vld [tilespmem:s24+$0x17C00];
	v11 =	vadd.f32 v46, v11  }
0x1de: {  	v59 =	vld [tilespmem:s23+$0x40]  }
0x1df: {  	v52 =	vmul.f32 v44, v45;
	v62 =	vld [tilespmem:s23+$0x50];
	v11 =	vadd.f32 v49, v11  }
0x1e0: {  	v58 =	vmul.f32 v50, v51;
	v51 =	vld [tilespmem:$0x17480]  }
0x1e1: {  	v11 =	vadd.f32 v52, v11;
	v52 =	vld [tilespmem:$0x17670]  }
0x1e2: {  	v63 =	vld [tilespmem:s24+$0x17FC0]  }
0x1e3: {  	v61 =	vmul.f32 v53, v54;
	v53 =	vld [tilespmem:$0x17860]  }
0x1e4: {  	v23 =	vld [tilespmem:s24+$0x181A0]  }
0x1e5: {  	v55 =	vmul.f32 v47, v48;
	v54 =	vld [tilespmem:$0x17A50]  }
0x1e6: {  	v60 =	vld [tilespmem:s24+$0x17DE0];
	v12 =	vmul.f32 v51, v51;
	v13 =	vmul.f32 v52, v52  }
0x1e7: {  	v11 =	vadd.f32 v55, v11;
	v55 =	vld [tilespmem:$0x17C40]  }
0x1e8: {  	v26 =	vld [tilespmem:s24+$0x18380];
	v21 =	vmul.f32 v56, v57;
	v56 =	vmul.f32 v53, v53;
	v12 =	vadd.f32 v13, v12  }
0x1e9: {  	v57 =	vld [tilespmem:$0x17E30]  }
0x1ea: {  	v29 =	vld [tilespmem:s24+$0x18560];
	v11 =	vadd.f32 v58, v11;
	v58 =	vmul.f32 v54, v54;
	v12 =	vadd.f32 v56, v12  }
0x1eb: {  	v24 =	vmul.f32 v59, v60;
	v59 =	vld [tilespmem:$0x18020]  }
0x1ec: {  	v32 =	vld [tilespmem:s24+$0x18740];
	v60 =	vmul.f32 v55, v55;
	v12 =	vadd.f32 v58, v12  }
0x1ed: {  	v11 =	vadd.f32 v61, v11;
	v61 =	vld [tilespmem:$0x18210]  }
0x1ee: {  	v27 =	vmul.f32 v62, v63;
	v22 =	vld [tilespmem:s23+$0x60];
	v62 =	vmul.f32 v57, v57;
	v12 =	vadd.f32 v60, v12  }
0x1ef: {  	v63 =	vld [tilespmem:$0x18400]  }
0x1f0: {  	v35 =	vld [tilespmem:s24+$0x18920];
	v19 =	vmul.f32 v59, v59;
	v12 =	vadd.f32 v62, v12  }
0x1f1: {  	v25 =	vld [tilespmem:s23+$0x70]  }
0x1f2: {  	v38 =	vld [tilespmem:s24+$0x18B00];
	v11 =	vadd.f32 v21, v11;
	v21 =	vmul.f32 v61, v61;
	v12 =	vadd.f32 v19, v12  }
0x1f3: {  	v30 =	vmul.f32 v22, v23;
	v22 =	vld [tilespmem:$0x187E0]  }
0x1f4: {  	v28 =	vld [tilespmem:s23+$0x80];
	v23 =	vmul.f32 v63, v63;
	v12 =	vadd.f32 v21, v12  }
0x1f5: {  	v11 =	vadd.f32 v24, v11;
	v24 =	vld [tilespmem:$0x189D0]  }
0x1f6: {  	v31 =	vld [tilespmem:s23+$0x90];
	v33 =	vmul.f32 v25, v26;
	v25 =	vmul.f32 v20, v20;
	v12 =	vadd.f32 v23, v12  }
0x1f7: {  	v26 =	vld [tilespmem:$0x18BC0]  }
0x1f8: {  	v41 =	vld [tilespmem:s24+$0x18CE0];
	v11 =	vadd.f32 v27, v11;
	v27 =	vmul.f32 v22, v22;
	v12 =	vadd.f32 v25, v12  }
0x1f9: {  	v36 =	vmul.f32 v28, v29;
	v28 =	vld [tilespmem:$0x18DB0]  }
0x1fa: {  	v34 =	vld [tilespmem:s23+$0xA0];
	v29 =	vmul.f32 v24, v24;
	v12 =	vadd.f32 v27, v12  }
0x1fb: {  	v11 =	vadd.f32 v30, v11;
	v30 =	vld [tilespmem:$0x18FA0]  }
0x1fc: {  	v37 =	vld [tilespmem:s23+$0xB0];
	v39 =	vmul.f32 v31, v32;
	v31 =	vmul.f32 v26, v26;
	v12 =	vadd.f32 v29, v12  }
0x1fd: {  	v32 =	vld [tilespmem:$0x19190]  }
0x1fe: {  	v44 =	vld [tilespmem:s24+$0x18EC0];
	v11 =	vadd.f32 v33, v11;
	v33 =	vmul.f32 v28, v28;
	v12 =	vadd.f32 v31, v12  }
0x1ff: {  	v42 =	vmul.f32 v34, v35;
	v34 =	vld [tilespmem:$0x19380]  }
0x200: {  	v40 =	vld [tilespmem:s23+$0xC0];
	v35 =	vmul.f32 v30, v30;
	v12 =	vadd.f32 v33, v12  }
0x201: {  	v11 =	vadd.f32 v36, v11;
	v36 =	vld [tilespmem:$0x19570]  }
0x202: {  	v43 =	vld [tilespmem:s23+$0xD0];
	v45 =	vmul.f32 v37, v38;
	v37 =	vmul.f32 v32, v32;
	v12 =	vadd.f32 v35, v12  }
0x203: {  	v38 =	vld [tilespmem:$0x19760]  }
0x204: {  	v47 =	vld [tilespmem:s24+$0x190A0];
	v11 =	vadd.f32 v39, v11;
	v39 =	vmul.f32 v34, v34;
	v12 =	vadd.f32 v37, v12  }
0x205: {  	v48 =	vmul.f32 v40, v41;
	v40 =	vld [tilespmem:$0x19950]  }
0x206: {  	v46 =	vld [tilespmem:s23+$0xE0];
	v41 =	vmul.f32 v36, v36;
	v12 =	vadd.f32 v39, v12  }
0x207: {  	v11 =	vadd.f32 v42, v11;
	v42 =	vld [tilespmem:$0x19B40]  }
0x208: {  	v49 =	vmul.f32 v43, v44;
	v43 =	vmul.f32 v38, v38;
	v12 =	vadd.f32 v41, v12  }
0x209: {  	v44 =	vld [tilespmem:$0x19D30];
	v11 =	vadd.f32 v45, v11  }
0x20a: {  	v45 =	vmul.f32 v40, v40;
	v12 =	vadd.f32 v43, v12  }
0x20b: {  	v50 =	vmul.f32 v46, v47;
	v46 =	vld [tilespmem:$0x19F20];
	v11 =	vadd.f32 v48, v11  }
0x20c: {  	v47 =	vmul.f32 v42, v42;
	v12 =	vadd.f32 v45, v12  }
0x20d: {  	v48 =	vld [tilespmem:$0x1A110];
	v11 =	vadd.f32 v49, v11  }
0x20e: {  	v49 =	vmul.f32 v44, v44;
	v12 =	vadd.f32 v47, v12  }
0x20f: {  	v11 =	vadd.f32 v50, v11;
	v50 =	vld [tilespmem:$0x1A300]  }
0x210: {  	v51 =	vmul.f32 v46, v46;
	v12 =	vadd.f32 v49, v12  }
0x211: {  	v52 =	vld [tilespmem:$0x1A4F0]  }
0x212: {  	v53 =	vmul.f32 v48, v48;
	v12 =	vadd.f32 v51, v12  }
0x213: {  	v54 =	vld [tilespmem:$0x1A6E0]  }
0x214: {  	v55 =	vmul.f32 v50, v50;
	v12 =	vadd.f32 v53, v12  }
0x215: {  	v56 =	vld [tilespmem:$0x1A8D0]  }
0x216: {  	v57 =	vmul.f32 v52, v52;
	v12 =	vadd.f32 v55, v12  }
0x217: {  	v58 =	vld [tilespmem:$0x1AAC0]  }
0x218: {  	v59 =	vmul.f32 v54, v54;
	v12 =	vadd.f32 v57, v12  }
0x219: {  	v60 =	vld [tilespmem:$0x1ACB0]  }
0x21a: {  	v61 =	vmul.f32 v56, v56;
	v12 =	vadd.f32 v59, v12;
	_ =	sdelay $0x1  }
0x21b: {  	v62 =	vmul.f32 v58, v58;
	v12 =	vadd.f32 v61, v12;
	_ =	sdelay $0x1  }
0x21c: {  	v63 =	vmul.f32 v60, v60;
	v12 =	vadd.f32 v62, v12;
	_ =	sdelay $0x1  }
0x21d: {  	v12 =	vadd.f32 v63, v12;
	_ =	sdelay $0x1  }
0x21e: {  	v11 =	vsub.f32 v11, v12  }
0x21f: {  	v10 =	vnsel vm1, $0x0, v10  }
0x220: {  	v9 =	vadd.f32 v10, v9;
	v10 =	vmul.f32 $5.000000000e-01, v11;
	_ =	sdelay $0x1  }
0x221: {  	v9 =	vadd.f32 v10, v9;
	_ =	sdelay $0x1  }
0x222: {  	v10 =	vperm.xlane v9, v1;
	_ =	sdelay $0x1  }
0x223: {  	v9 =	vadd.f32 v10, v9;
	_ =	sdelay $0x1  }
0x224: {  	v10 =	vperm.xlane v9, v2;
	_ =	sdelay $0x1  }
0x225: {  	v9 =	vadd.f32 v10, v9;
	_ =	sdelay $0x1  }
0x226: {  	v10 =	vperm.xlane v9, v3;
	_ =	sdelay $0x1  }
0x227: {  	v9 =	vadd.f32 v10, v9;
	_ =	sdelay $0x1  }
0x228: {  	v10 =	vperm.xlane v9, v5  }
0x229: {  	s22 =	sand.u32 $0xF, s22  }
0x22a: {  	p0 =	seq.s32 s22, $0xF;
	v9 =	vadd.f32 v10, v9;
	v10 =	vmov s22  }
0x22b: {  	s22 =	sshll.u32 @p0 s21, $0x1;
	vm2 =	veq.s32 v10, v6  }
0x22c: {  	s21 =	sadd.s32 $0x1, s21;
	s22 =	sand.u32 @p0 $0x70, s22;
	v8 =	vsel vm2, v9, v8  }
0x22d: {  	[tilespmem:s22+$0x1ACC0] =	vst @p0 v8;
	p0 =	sne.s32 s21, $0x40  }
.Ltmp2:
0x22e: {  	_ = 	snop;
	(pc) =	sbr.rel @p0 .LBB2_2-.Ltmp2, $1  }
0x22f: {  	_ =	sdelay $0x3  }
0x230: {  	v7 =	vld [tilespmem:$0x1ACC0]  }
0x231: {  	v8 =	vld [tilespmem:$0x1AD40];
	_ =	sdelay $0x4  }
0x232: {  	v7 =	vadd.f32 v8, v7;
	_ =	sdelay $0x1  }
0x233: {  	v7 =	vsub.f32 $0.0e+00, v7;
	_ =	sdelay $0x1  }
0x234: {  	v7 =	vmul.f32 $1.442695020e+00, v7;
	_ =	sdelay $0x1  }
0x235: {  	(erf) = vpow2.f32 v7  }
0x236: {  	v8 =	vld [tilespmem:$0x1AD40]  }
0x237: {  	v7 =	vld [tilespmem:$0x1ACD0];
	_ =	sdelay $0x4  }
0x238: {  	v7 =	vadd.f32 v8, v7;
	_ =	sdelay $0x1  }
0x239: {  	v7 =	vsub.f32 $0.0e+00, v7;
	v8 =	vpop (erf)  }
0x23a: {  	v8 =	vadd.f32 $1.000000000e+00, v8  }
0x23b: {  	v7 =	vmul.f32 $1.442695020e+00, v7  }
0x23c: {  	(erf) = vrcp.f32 v8  }
0x23d: {  	(erf) = vpow2.f32 v7  }
0x23e: {  	v8 =	vld [tilespmem:$0x1AD40]  }
0x23f: {  	v7 =	vld [tilespmem:$0x1ACE0];
	_ =	sdelay $0x4  }
0x240: {  	v7 =	vadd.f32 v8, v7  }
0x241: {  	v8 =	vpop (erf)  }
0x242: {  	v7 =	vsub.f32 $0.0e+00, v7;
	v9 =	vpop (erf)  }
0x243: {  	v9 =	vadd.f32 $1.000000000e+00, v9  }
0x244: {  	v7 =	vmul.f32 $1.442695020e+00, v7  }
0x245: {  	(erf) = vrcp.f32 v9  }
0x246: {  	(erf) = vpow2.f32 v7  }
0x247: {  	v53 =	vld [tilespmem:$0x1AD40]  }
0x248: {  	v7 =	vld [tilespmem:$0x1ACF0];
	_ =	sdelay $0x4  }
0x249: {  	v7 =	vadd.f32 v53, v7  }
0x24a: {  	v54 =	vpop (erf)  }
0x24b: {  	v7 =	vsub.f32 $0.0e+00, v7;
	v10 =	vpop (erf)  }
0x24c: {  	v10 =	vadd.f32 $1.000000000e+00, v10  }
0x24d: {  	v7 =	vmul.f32 $1.442695020e+00, v7  }
0x24e: {  	(erf) = vrcp.f32 v10  }
0x24f: {  	(erf) = vpow2.f32 v7  }
0x250: {  	v55 =	vld [tilespmem:$0x1AD40]  }
0x251: {  	v7 =	vld [tilespmem:$0x1AD00];
	_ =	sdelay $0x4  }
0x252: {  	v7 =	vadd.f32 v55, v7  }
0x253: {  	v56 =	vpop (erf)  }
0x254: {  	v7 =	vsub.f32 $0.0e+00, v7;
	v11 =	vpop (erf)  }
0x255: {  	v11 =	vadd.f32 $1.000000000e+00, v11  }
0x256: {  	v7 =	vmul.f32 $1.442695020e+00, v7  }
0x257: {  	(erf) = vrcp.f32 v11  }
0x258: {  	(erf) = vpow2.f32 v7  }
0x259: {  	v57 =	vld [tilespmem:$0x1AD40]  }
0x25a: {  	v7 =	vld [tilespmem:$0x1AD10];
	_ =	sdelay $0x4  }
0x25b: {  	v7 =	vadd.f32 v57, v7  }
0x25c: {  	v58 =	vpop (erf)  }
0x25d: {  	v7 =	vsub.f32 $0.0e+00, v7;
	v12 =	vpop (erf)  }
0x25e: {  	v12 =	vadd.f32 $1.000000000e+00, v12  }
0x25f: {  	v7 =	vmul.f32 $1.442695020e+00, v7  }
0x260: {  	(erf) = vrcp.f32 v12  }
0x261: {  	(erf) = vpow2.f32 v7  }
0x262: {  	v59 =	vld [tilespmem:$0x1AD40]  }
0x263: {  	v7 =	vld [tilespmem:$0x1AD20];
	_ =	sdelay $0x4  }
0x264: {  	v7 =	vadd.f32 v59, v7  }
0x265: {  	v60 =	vpop (erf)  }
0x266: {  	v7 =	vsub.f32 $0.0e+00, v7;
	v13 =	vpop (erf)  }
0x267: {  	v13 =	vadd.f32 $1.000000000e+00, v13  }
0x268: {  	v7 =	vmul.f32 $1.442695020e+00, v7  }
0x269: {  	(erf) = vrcp.f32 v13  }
0x26a: {  	(erf) = vpow2.f32 v7  }
0x26b: {  	v61 =	vld [tilespmem:$0x1AD40]  }
0x26c: {  	v7 =	vld [tilespmem:$0x1AD30];
	_ =	sdelay $0x4  }
0x26d: {  	v7 =	vadd.f32 v61, v7  }
0x26e: {  	v62 =	vpop (erf)  }
0x26f: {  	v7 =	vsub.f32 $0.0e+00, v7;
	v14 =	vpop (erf)  }
0x270: {  	v14 =	vadd.f32 $1.000000000e+00, v14  }
0x271: {  	v7 =	vmul.f32 $1.442695020e+00, v7  }
0x272: {  	(erf) = vrcp.f32 v14  }
0x273: {  	(erf) = vpow2.f32 v7;
	_ =	sdelay $0x7  }
0x274: {  	v7 =	vpop (erf)  }
0x275: {  	v63 =	vpop (erf)  }
0x276: {  	v14 =	vadd.f32 $1.000000000e+00, v63;
	_ =	sdelay $0x1  }
0x277: {  	(erf) = vrcp.f32 v14;
	_ =	sdelay $0x2  }
0x278: {  	[tilespmem:$0x1ACC0] =	vst v8  }
0x279: {  	[tilespmem:$0x1ACD0] =	vst v54  }
0x27a: {  	[tilespmem:$0x1ACE0] =	vst v56  }
0x27b: {  	[tilespmem:$0x1ACF0] =	vst v58  }
0x27c: {  	[tilespmem:$0x1AD00] =	vst v60  }
0x27d: {  	s20 =	sadd.s32 $0x1, s20;
	[tilespmem:$0x1AD10] =	vst v62  }
0x27e: {  	p0 =	sne.s32 s20, s8;
	[tilespmem:$0x1AD20] =	vst v7;
	v7 =	vpop (erf)  }
.Ltmp3:
0x27f: {  	[tilespmem:$0x1AD30] =	vst v7;
	(pc) =	sbr.rel @p0 .LBB2_1-.Ltmp3, $4  }
0x280: {  	[hbm4b:s7+s4] =	stream.linear.scatter [tilespmem:s19], [sflag:$0x3], $0x80, $0x38;
	[tilespmem:$0x1AD50] =	vst v63  }
0x281: {  	_ =	swait.ge [sflag:s9], $0x80  }
0x282: {  	[sflag:s9] =	ssyncset.done $0x0  }
0x283: {  	[sflag:s9] =	ssyncadd.s32 $0xFFFFFF80  }
0x284: {  	_ =	sfence.sel $0x180000  }
0x285: {  	[bflag:$0x0] =	sbarrier.arrive $0xFFFF  }
0x286: {  	p0 =	sne.s32 s3, $0x0;
	_ =	strace $0x90000047  }
0x287: {  	s0 =	sadd.s32 @!p0 $0x100000, s2;
	[bflag:$0x2] =	sbarrier.arrive $0xFFFF  }
0x288: {  	[sflag:s0] =	ssyncadd.tile.s32 @!p0 $0x1;
	_ =	shalt  }
.Lfunc_end2:
_tile_overlayer_lowered:
.L_overlay_start_2:
0x289: {  	(tag) =	ssettag $0x2  }
0x28a: {  	s0 =	rddreg [dreg:$0x0];
	s2 =	stileid.u32  }
0x28b: {  	s1 =	rddreg [dreg:$0x1];
	p0 =	sne.s32 s2, $0x0  }
0x28c: {  	s3 =	rddreg [dreg:$0x2];
	[bflag:$0x3] =	sbarrier.arrive $0xFFFF;
	s2 =	simm.s32 @!p0 $0x1C03  }
0x28d: {  	[timem:s3], [sflag:s2] =	dma.local @!p0 [hbm:s0], s1  }
0x28e: {  	s0 =	simm.s32 @!p0 $0x3  }
0x28f: {  	_ =	swait.ge @!p0 [sflag:s0], s1  }
0x290: {  	s1 =	ssub.s32 @!p0 $0x0, s1;
	[sflag:s0] =	ssyncset.done @!p0 $0x0  }
0x291: {  	[sflag:s0] =	ssyncadd.s32 @!p0 s1  }
0x292: {  	[bflag:$0x3] =	sbarrier.arrive $0xFFFF  }
0x293: {  	_ =	shalt  }

</sc_bundles>
